<compile_context>
chip_gen: v7x
topology: tpu7x:2x2x1
jax: 0.10.2.dev20260603
libtpu: 0.0.44.dev20260713+nightly
codegen_flags: <defaults>
</compile_context>

<pallas_src>
import functools

import jax
import jax.numpy as jnp
import numpy as np
from jax import lax
from jax.experimental import pallas as pl
from jax.experimental.pallas import tpu as pltpu
from jax.experimental.pallas import tpu_sc as plsc

CHUNK = 80
NPB_C = 1000



def _sc_segment_sum(src3, edge_attr, zeros_rows, zeros_n, n_nodes):
    NW, chunks, chunk = src3.shape
    E, D = edge_attr.shape
    info = plsc.get_sparse_core_info()
    NC, NS = info.num_cores, info.num_subcores
    assert NW == NC * NS
    EPW = E // NW
    NCH = n_nodes // chunk
    TREP = (NCH + NS - 1) // NS
    NV = chunk // 16

    mesh = plsc.VectorSubcoreMesh(core_axis_name="c", subcore_axis_name="s")

    @functools.partial(
        pl.kernel,
        out_type=(
            pltpu.HBM((NC, n_nodes, D), jnp.float32),
            pltpu.HBM((NW, n_nodes), jnp.float32),
        ),
        mesh=mesh,
        scratch_types=[
            pltpu.VMEM((chunks, chunk), jnp.int32),
            pltpu.VMEM((chunk, D), jnp.float32),
            pltpu.VMEM((chunk, D), jnp.float32),
            pltpu.VMEM((n_nodes,), jnp.float32),
            pltpu.VMEM_SHARED((n_nodes, D), jnp.float32),
            pltpu.SemaphoreType.DMA,
            pltpu.SemaphoreType.DMA,
        ],
        compiler_params=pltpu.CompilerParams(needs_layout_passes=False),
    )
    def k(idx_hbm, ea_hbm, zrows_hbm, zn_hbm, acc_out, cnt_out,
          idx_v, rows0_v, rows1_v, cnt_v, acc_sh, sem0, sem1):
        cid = lax.axis_index("c")
        sid = lax.axis_index("s")
        wid = sid * NC + cid

        pltpu.sync_copy(idx_hbm.at[wid], idx_v)
        pltpu.sync_copy(zn_hbm, cnt_v)
        pltpu.sync_copy(zrows_hbm, rows0_v)

        def _zc(c):
            return (rows0_v, acc_sh.at[pl.ds(c * chunk, chunk)])

        for t in range(TREP):
            c = sid + t * NS
            if (t + 1) * NS <= NCH:
                pltpu.async_copy(*_zc(c), sem0)
            else:
                @pl.when(c < NCH)
                def _():
                    pltpu.async_copy(*_zc(c), sem0)
        for t in range(TREP):
            c = sid + t * NS
            if (t + 1) * NS <= NCH:
                pltpu.make_async_copy(*_zc(c), sem0).wait()
            else:
                @pl.when(c < NCH)
                def _():
                    pltpu.make_async_copy(*_zc(c), sem0).wait()
        plsc.subcore_barrier()

        base = wid * EPW
        ones16 = jnp.full((16,), 1.0, jnp.float32)

        def _ea(j):
            return ea_hbm.at[pl.ds(base + j * chunk, chunk)]

        def _counts(j):
            for l in range(NV):
                vec = idx_v[j, pl.ds(l * 16, 16)]
                plsc.addupdate_scatter(cnt_v, [vec], ones16)

        pltpu.async_copy(_ea(0), rows0_v, sem0)
        npairs = chunks // 2

        def body(t, carry):
            j0 = 2 * t
            pltpu.make_async_copy(_ea(j0), rows0_v, sem0).wait()
            pltpu.async_copy(_ea(j0 + 1), rows1_v, sem1)
            pltpu.sync_copy(rows0_v, acc_sh.at[idx_v.at[j0]], add=True)
            _counts(j0)
            pltpu.make_async_copy(_ea(j0 + 1), rows1_v, sem1).wait()
            @pl.when(j0 + 2 < chunks)
            def _():
                pltpu.async_copy(_ea(j0 + 2), rows0_v, sem0)
            pltpu.sync_copy(rows1_v, acc_sh.at[idx_v.at[j0 + 1]], add=True)
            _counts(j0 + 1)
            return carry

        lax.fori_loop(0, npairs, body, 0)
        if chunks % 2:
            j = chunks - 1
            pltpu.make_async_copy(_ea(j), rows0_v, sem0).wait()
            pltpu.sync_copy(rows0_v, acc_sh.at[idx_v.at[j]], add=True)
            _counts(j)
        plsc.subcore_barrier()

        bufs = (rows0_v, rows1_v)
        sems = (sem0, sem1)

        def _wr(c, b, sm):
            return (b, acc_out.at[cid, pl.ds(c * chunk, chunk)], sm)

        for t in range(TREP):
            c = sid + t * NS
            b, sm = bufs[t % 2], sems[t % 2]

            def _step(c=c, b=b, sm=sm, t=t):
                if t >= 2:
                    pltpu.make_async_copy(*_wr(c, b, sm)).wait()
                pltpu.sync_copy(acc_sh.at[pl.ds(c * chunk, chunk)], b)
                pltpu.async_copy(*_wr(c, b, sm))

            if (t + 1) * NS <= NCH:
                _step()
            else:
                pl.when(c < NCH)(_step)
        for t in range(TREP - 2, TREP):
            c = sid + t * NS
            b, sm = bufs[t % 2], sems[t % 2]
            if (t + 1) * NS <= NCH:
                pltpu.make_async_copy(*_wr(c, b, sm)).wait()
            else:
                @pl.when(c < NCH)
                def _():
                    pltpu.make_async_copy(*_wr(c, b, sm)).wait()
        pltpu.sync_copy(cnt_v, cnt_out.at[wid])

    return k(src3, edge_attr, zeros_rows, zeros_n)



def _leaky(v):
    return jnp.where(v >= 0, v, 0.01 * v)


def _dense_body(*refs):
    (xr, p0r, p1r, cpr, idxr) = refs[:5]
    out_ref = refs[-1]
    w = [r[...] for r in refs[5:-1]]
    (w0, b0, w0c, b0c, g0, be0,
     w1, b1, w1c, b1c, g1, be1,
     w2, b2, w2c, b2c, g2, be2,
     tW1, tb1, bng, bnb, tW2, tb2,
     sW1, sb1, s1g, s1b, sW2, sb2, s2g, s2b, sW3, sb3) = w
    d = xr.shape[1]
    layers = ((w0[:d], w0[d:], b0, w0c, b0c, g0, be0),
              (w1[:d], w1[d:], b1, w1c, b1c, g1, be1),
              (w2[:d], w2[d:], b2, w2c, b2c, g2, be2))

    n = xr.shape[0]
    parts = cpr[...]
    cnt_col = lax.dot_general(parts, jnp.ones((parts.shape[0], 1), jnp.float32),
                              (((0,), (0,)), ((), ())),
                              preferred_element_type=jnp.float32)
    cnt = jnp.maximum(cnt_col, 1.0)
    ea_mean = (p0r[...] + p1r[...]) / cnt

    h = xr[...]
    for (Wa, Wb, bb, Wc, bc, g, be) in layers:
        agg = h * ea_mean
        z = _leaky(jnp.dot(h, Wa, preferred_element_type=jnp.float32)
                   + jnp.dot(agg, Wb, preferred_element_type=jnp.float32) + bb)
        z = jnp.dot(z, Wc, preferred_element_type=jnp.float32) + bc
        mu = jnp.mean(z, axis=-1, keepdims=True)
        var = jnp.mean((z - mu) * (z - mu), axis=-1, keepdims=True)
        h = (z - mu) * lax.rsqrt(var + 1e-5) * g + be

    v = jnp.dot(h, tW1, preferred_element_type=jnp.float32) + tb1
    mu0 = jnp.mean(v, axis=0, keepdims=True)
    var0 = jnp.mean((v - mu0) * (v - mu0), axis=0, keepdims=True)
    v = _leaky((v - mu0) * lax.rsqrt(var0 + 1e-5) * bng + bnb)
    v = jnp.dot(v, tW2, preferred_element_type=jnp.float32) + tb2

    nb = n // NPB_C
    idx = idxr[...]
    ii = lax.broadcasted_iota(jnp.int32, (n, idx.shape[1]), 0)
    csel = jnp.zeros(ii.shape, jnp.bool_)
    for b in range(nb):
        csel = jnp.logical_or(csel, ii == (idx + b * NPB_C))
    M = v * csel.astype(jnp.float32)
    ib = lax.broadcasted_iota(jnp.int32, (nb, n), 0)
    ir = lax.broadcasted_iota(jnp.int32, (nb, n), 1)
    diff = ir - ib * NPB_C
    bsel = jnp.logical_and(diff >= 0, diff < NPB_C).astype(jnp.float32)
    sn = jnp.dot(bsel, M, preferred_element_type=jnp.float32)

    u = jnp.dot(sn, sW1, preferred_element_type=jnp.float32) + sb1
    mu1 = jnp.mean(u, axis=0, keepdims=True)
    var1 = jnp.mean((u - mu1) * (u - mu1), axis=0, keepdims=True)
    u = _leaky((u - mu1) * lax.rsqrt(var1 + 1e-5) * s1g + s1b)
    u = jnp.dot(u, sW2, preferred_element_type=jnp.float32) + sb2
    mu2 = jnp.mean(u, axis=0, keepdims=True)
    var2 = jnp.mean((u - mu2) * (u - mu2), axis=0, keepdims=True)
    u = _leaky((u - mu2) * lax.rsqrt(var2 + 1e-5) * s2g + s2b)
    out_ref[...] = jnp.dot(u, sW3, preferred_element_type=jnp.float32) + sb3


def _dense_call(x, p0, p1, cnt_parts, sn_idx, wlist):
    nb = x.shape[0] // NPB_C
    return pl.pallas_call(
        _dense_body,
        out_shape=jax.ShapeDtypeStruct((nb, 2), jnp.float32),
    )(x, p0, p1, cnt_parts, sn_idx, *wlist)



def kernel(x, edge_index, edge_attr, batch, supernode_indices, params):
    n, d = x.shape
    e = edge_attr.shape[0]
    info = plsc.get_sparse_core_info()
    nw = info.num_cores * info.num_subcores
    chunks = e // (nw * CHUNK)
    assert chunks * nw * CHUNK == e

    src3 = edge_index[0].reshape(nw, chunks, CHUNK)
    zeros_rows = np.zeros((CHUNK, d), np.float32)
    zeros_n = np.zeros((n,), np.float32)
    acc, cnt_parts = _sc_segment_sum(src3, edge_attr, zeros_rows, zeros_n, n)

    wlist = []
    for p in params["proc"]:
        wlist += [p["W1"], p["b1"].reshape(1, -1),
                  p["W2"], p["b2"].reshape(1, -1),
                  p["ln_g"].reshape(1, -1), p["ln_b"].reshape(1, -1)]
    t = params["time"]
    wlist += [t["W1"], t["b1"].reshape(1, -1), t["bn_g"].reshape(1, -1),
              t["bn_b"].reshape(1, -1), t["W2"], t["b2"].reshape(1, -1)]
    s = params["super"]
    wlist += [s["W1"], s["b1"].reshape(1, -1), s["bn1_g"].reshape(1, -1),
              s["bn1_b"].reshape(1, -1), s["W2"], s["b2"].reshape(1, -1),
              s["bn2_g"].reshape(1, -1), s["bn2_b"].reshape(1, -1),
              s["W3"], s["b3"].reshape(1, -1)]

    sn_idx = supernode_indices.reshape(1, -1).astype(jnp.int32)
    return _dense_call(x, acc[0], acc[1], cnt_parts, sn_idx, wlist)

# --- scband reference (transcript-rebuilt; emitter-appended) ---
"""Pipeline reference for scband-neural-gnn-12652973654195 (READ-ONLY COPY).

The authoritative reference and input builder live on the scoring server;
editing this copy changes nothing except your own understanding.
"""

import jax, jax.numpy as jnp
import numpy as np

N = 10000
E = 320000
D = 128
H = 256
L = 3
BATCH = 10
NPB = 1000
NS = 64
TH = 128
S1 = 128
S2 = 64


def _lin(k, fan_in, fan_out):
    k1, k2 = jax.random.split(k)
    bound = 1.0 / np.sqrt(fan_in)
    W = jax.random.uniform(k1, (fan_in, fan_out), minval=-bound, maxval=bound, dtype=jnp.float32)
    b = jax.random.uniform(k2, (fan_out,), minval=-bound, maxval=bound, dtype=jnp.float32)
    return W, b


def setup_inputs(seed: int = 0):
    key = jax.random.key(seed)
    ks = jax.random.split(key, 16)
    x = jax.random.normal(ks[0], (N, D), dtype=jnp.float32)
    edge_index = jax.random.randint(ks[1], (2, E), 0, N, dtype=jnp.int32)
    edge_attr = jax.random.normal(ks[2], (E, D), dtype=jnp.float32)
    batch = jnp.arange(N, dtype=jnp.int32) // NPB
    supernode_indices = jax.random.randint(ks[3], (NS,), 0, NPB, dtype=jnp.int32)
    proc = []
    for i in range(L):
        kk = jax.random.fold_in(ks[4], i)
        ka, kb = jax.random.split(kk)
        W1, b1 = _lin(ka, 2 * D, H)
        W2, b2 = _lin(kb, H, D)
        proc.append({"W1": W1, "b1": b1, "W2": W2, "b2": b2, "ln_g": jnp.ones((D,), jnp.float32), "ln_b": jnp.zeros((D,), jnp.float32)})
    tW1, tb1 = _lin(ks[5], D, TH)
    tW2, tb2 = _lin(ks[6], TH, 1)
    time_p = {"W1": tW1, "b1": tb1, "bn_g": jnp.ones((TH,), jnp.float32), "bn_b": jnp.zeros((TH,), jnp.float32), "W2": tW2, "b2": tb2}
    sW1, sb1 = _lin(ks[7], NS, S1)
    sW2, sb2 = _lin(ks[8], S1, S2)
    sW3, sb3 = _lin(ks[9], S2, 2)
    sup = {"W1": sW1, "b1": sb1, "bn1_g": jnp.ones((S1,), jnp.float32), "bn1_b": jnp.zeros((S1,), jnp.float32), "W2": sW2, "b2": sb2, "bn2_g": jnp.ones((S2,), jnp.float32), "bn2_b": jnp.zeros((S2,), jnp.float32), "W3": sW3, "b3": sb3}
    params = {"proc": proc, "time": time_p, "super": sup}
    return {"x": x, "edge_index": edge_index, "edge_attr": edge_attr, "batch": batch, "supernode_indices": supernode_indices, "params": params}


def _leaky(v):
    return jnp.where(v >= 0, v, 0.01 * v)


def _layernorm(v, g, b):
    mu = jnp.mean(v, axis=-1, keepdims=True)
    var = jnp.var(v, axis=-1, keepdims=True)
    return (v - mu) / jnp.sqrt(var + 1e-5) * g + b


def _batchnorm(v, g, b):
    mu = jnp.mean(v, axis=0)
    var = jnp.var(v, axis=0)
    return (v - mu) / jnp.sqrt(var + 1e-5) * g + b


def _forward(x, edge_attr, params, edge_index, supernode_indices):
    src = edge_index[0]
    h = x
    for i in range(L):
        p = params["proc"][i]
        m = h[src] * edge_attr
        sums = jax.ops.segment_sum(m, src, num_segments=N)
        counts = jax.ops.segment_sum(jnp.ones((E, 1), dtype=h.dtype), src, num_segments=N)
        agg = sums / jnp.maximum(counts, 1.0)
        z = jnp.concatenate([h, agg], axis=1)
        z = _leaky(z @ p["W1"] + p["b1"])
        z = z @ p["W2"] + p["b2"]
        h = _layernorm(z, p["ln_g"], p["ln_b"])
    t = params["time"]
    v = h @ t["W1"] + t["b1"]
    v = _leaky(_batchnorm(v, t["bn_g"], t["bn_b"]))
    v = v @ t["W2"] + t["b2"]
    v = v.reshape(BATCH, NPB)
    sn = v[:, supernode_indices]
    s = params["super"]
    u = _leaky(_batchnorm(sn @ s["W1"] + s["b1"], s["bn1_g"], s["bn1_b"]))
    u = _leaky(_batchnorm(u @ s["W2"] + s["b2"], s["bn2_g"], s["bn2_b"]))
    return u @ s["W3"] + s["b3"]


def reference(x, edge_index, edge_attr, batch, supernode_indices, params):
    return _forward(x, edge_attr, params, edge_index, supernode_indices)

if __name__ == "__main__":
    import jax
    _d = setup_inputs()
    print(jax.jit(kernel)(*tuple(_d.values())))

</pallas_src>

<mosaic_0001>
#map = affine_map<(d0, d1) -> (0, 0, 0)>
#map1 = affine_map<(d0, d1) -> (0, 0)>
#map2 = affine_map<(d0, d1) -> (0)>
module attributes {stable_mosaic.version = 14 : i64} {
  func.func @k(%arg0: i32, %arg1: i32, %arg2: memref<32x125x80xi32, #tpu.memory_space<hbm>>, %arg3: memref<320000x128xf32, #tpu.memory_space<hbm>>, %arg4: memref<80x128xf32, #tpu.memory_space<hbm>>, %arg5: memref<10000xf32, #tpu.memory_space<hbm>>, %arg6: memref<2x10000x128xf32, #tpu.memory_space<hbm>>, %arg7: memref<32x10000xf32, #tpu.memory_space<hbm>>, %arg8: memref<125x80xi32, #tpu.memory_space<vmem>>, %arg9: memref<80x128xf32, #tpu.memory_space<vmem>>, %arg10: memref<80x128xf32, #tpu.memory_space<vmem>>, %arg11: memref<10000xf32, #tpu.memory_space<vmem>>, %arg12: memref<10000x128xf32, #tpu.memory_space<vmem_shared>>, %arg13: memref<!tpu.dma_semaphore, #tpu.memory_space<semaphore_mem>>, %arg14: memref<!tpu.dma_semaphore, #tpu.memory_space<semaphore_mem>>) attributes {dimension_semantics = [#tpu.dimension_semantics<core_parallel>, #tpu.dimension_semantics<subcore_parallel>], iteration_bounds = array<i64: 2, 16>, scalar_prefetch = 0 : i64, scratch_operands = 7 : i64, tpu.core_type = #tpu.core_type<sc_vector_subcore>, window_params = [{transform_indices = #map}, {transform_indices = #map1}, {transform_indices = #map1}, {transform_indices = #map2}, {transform_indices = #map}, {transform_indices = #map1}]} {
    %mul3A = arith.constant 2 : i32
    %mul3A_0 = arith.muli %arg1, %mul3A : i32
    %add3A = arith.addi %mul3A_0, %arg0 : i32
    "tpu.region"() ({
      %run_scoped3A_310 = tpu.sem_alloc : memref<!tpu.dma_semaphore, #tpu.memory_space<semaphore_mem>>
      %dma_start3A_311 = arith.constant 0 : i32
      %dma_start3A_312 = arith.constant 0 : i32
      %dma_start3A_313 = tpu.memref_slice %arg2[%add3A, %dma_start3A_311, %dma_start3A_312] : memref<32x125x80xi32, #tpu.memory_space<hbm>> -> memref<1x125x80xi32, #tpu.memory_space<hbm>>
      %dma_start3A_314 = tpu.memref_squeeze %dma_start3A_313 : memref<1x125x80xi32, #tpu.memory_space<hbm>> -> memref<125x80xi32, #tpu.memory_space<hbm>>
      %dma_start3A_315 = arith.constant 0 : i32
      %dma_start3A_316 = arith.constant 0 : i32
      %dma_start3A_317 = tpu.memref_slice %arg2[%add3A, %dma_start3A_315, %dma_start3A_316] : memref<32x125x80xi32, #tpu.memory_space<hbm>> -> memref<1x125x80xi32, #tpu.memory_space<hbm>>
      %dma_start3A_318 = tpu.memref_squeeze %dma_start3A_317 : memref<1x125x80xi32, #tpu.memory_space<hbm>> -> memref<125x80xi32, #tpu.memory_space<hbm>>
      tpu.enqueue_dma source(%dma_start3A_318 : memref<125x80xi32, #tpu.memory_space<hbm>>) target(%arg8 : memref<125x80xi32, #tpu.memory_space<vmem>>) target_semaphore(%run_scoped3A_310 : memref<!tpu.dma_semaphore, #tpu.memory_space<semaphore_mem>>)
      %dma_wait3A_319 = arith.constant 0 : i32
      %dma_wait3A_320 = arith.constant 0 : i32
      %dma_wait3A_321 = tpu.memref_slice %arg2[%add3A, %dma_wait3A_319, %dma_wait3A_320] : memref<32x125x80xi32, #tpu.memory_space<hbm>> -> memref<1x125x80xi32, #tpu.memory_space<hbm>>
      %dma_wait3A_322 = tpu.memref_squeeze %dma_wait3A_321 : memref<1x125x80xi32, #tpu.memory_space<hbm>> -> memref<125x80xi32, #tpu.memory_space<hbm>>
      %dma_wait3A_323 = arith.constant 0 : i32
      %dma_wait3A_324 = arith.constant 0 : i32
      %dma_wait3A_325 = tpu.memref_slice %arg2[%add3A, %dma_wait3A_323, %dma_wait3A_324] : memref<32x125x80xi32, #tpu.memory_space<hbm>> -> memref<1x125x80xi32, #tpu.memory_space<hbm>>
      %dma_wait3A_326 = tpu.memref_squeeze %dma_wait3A_325 : memref<1x125x80xi32, #tpu.memory_space<hbm>> -> memref<125x80xi32, #tpu.memory_space<hbm>>
      tpu.wait_dma2 semaphore(%run_scoped3A_310 : memref<!tpu.dma_semaphore, #tpu.memory_space<semaphore_mem>>) src(%dma_wait3A_326 : memref<125x80xi32, #tpu.memory_space<hbm>>) dst(%arg8 : memref<125x80xi32, #tpu.memory_space<vmem>>)
      tpu.yield
    }) : () -> ()
    "tpu.region"() ({
      %run_scoped3A_310 = tpu.sem_alloc : memref<!tpu.dma_semaphore, #tpu.memory_space<semaphore_mem>>
      tpu.enqueue_dma source(%arg5 : memref<10000xf32, #tpu.memory_space<hbm>>) target(%arg11 : memref<10000xf32, #tpu.memory_space<vmem>>) target_semaphore(%run_scoped3A_310 : memref<!tpu.dma_semaphore, #tpu.memory_space<semaphore_mem>>)
      tpu.wait_dma2 semaphore(%run_scoped3A_310 : memref<!tpu.dma_semaphore, #tpu.memory_space<semaphore_mem>>) src(%arg5 : memref<10000xf32, #tpu.memory_space<hbm>>) dst(%arg11 : memref<10000xf32, #tpu.memory_space<vmem>>)
      tpu.yield
    }) : () -> ()
    "tpu.region"() ({
      %run_scoped3A_310 = tpu.sem_alloc : memref<!tpu.dma_semaphore, #tpu.memory_space<semaphore_mem>>
      tpu.enqueue_dma source(%arg4 : memref<80x128xf32, #tpu.memory_space<hbm>>) target(%arg9 : memref<80x128xf32, #tpu.memory_space<vmem>>) target_semaphore(%run_scoped3A_310 : memref<!tpu.dma_semaphore, #tpu.memory_space<semaphore_mem>>)
      tpu.wait_dma2 semaphore(%run_scoped3A_310 : memref<!tpu.dma_semaphore, #tpu.memory_space<semaphore_mem>>) src(%arg4 : memref<80x128xf32, #tpu.memory_space<hbm>>) dst(%arg9 : memref<80x128xf32, #tpu.memory_space<vmem>>)
      tpu.yield
    }) : () -> ()
    %add3A_1 = arith.constant 0 : i32
    %add3A_2 = arith.addi %arg1, %add3A_1 : i32
    %mul3A_3 = arith.constant 80 : i32
    %mul3A_4 = arith.muli %add3A_2, %mul3A_3 : i32
    %dma_start3A = arith.constant 0 : i32
    %dma_start3A_5 = tpu.memref_slice %arg12[%mul3A_4, %dma_start3A] : memref<10000x128xf32, #tpu.memory_space<vmem_shared>> -> memref<80x128xf32, #tpu.memory_space<vmem_shared>>
    %dma_start3A_6 = arith.constant 0 : i32
    %dma_start3A_7 = tpu.memref_slice %arg12[%mul3A_4, %dma_start3A_6] : memref<10000x128xf32, #tpu.memory_space<vmem_shared>> -> memref<80x128xf32, #tpu.memory_space<vmem_shared>>
    tpu.enqueue_dma source(%arg9 : memref<80x128xf32, #tpu.memory_space<vmem>>) target(%dma_start3A_7 : memref<80x128xf32, #tpu.memory_space<vmem_shared>>) target_semaphore(%arg13 : memref<!tpu.dma_semaphore, #tpu.memory_space<semaphore_mem>>)
    %add3A_8 = arith.constant 16 : i32
    %add3A_9 = arith.addi %arg1, %add3A_8 : i32
    %mul3A_10 = arith.constant 80 : i32
    %mul3A_11 = arith.muli %add3A_9, %mul3A_10 : i32
    %dma_start3A_12 = arith.constant 0 : i32
    %dma_start3A_13 = tpu.memref_slice %arg12[%mul3A_11, %dma_start3A_12] : memref<10000x128xf32, #tpu.memory_space<vmem_shared>> -> memref<80x128xf32, #tpu.memory_space<vmem_shared>>
    %dma_start3A_14 = arith.constant 0 : i32
    %dma_start3A_15 = tpu.memref_slice %arg12[%mul3A_11, %dma_start3A_14] : memref<10000x128xf32, #tpu.memory_space<vmem_shared>> -> memref<80x128xf32, #tpu.memory_space<vmem_shared>>
    tpu.enqueue_dma source(%arg9 : memref<80x128xf32, #tpu.memory_space<vmem>>) target(%dma_start3A_15 : memref<80x128xf32, #tpu.memory_space<vmem_shared>>) target_semaphore(%arg13 : memref<!tpu.dma_semaphore, #tpu.memory_space<semaphore_mem>>)
    %add3A_16 = arith.constant 32 : i32
    %add3A_17 = arith.addi %arg1, %add3A_16 : i32
    %mul3A_18 = arith.constant 80 : i32
    %mul3A_19 = arith.muli %add3A_17, %mul3A_18 : i32
    %dma_start3A_20 = arith.constant 0 : i32
    %dma_start3A_21 = tpu.memref_slice %arg12[%mul3A_19, %dma_start3A_20] : memref<10000x128xf32, #tpu.memory_space<vmem_shared>> -> memref<80x128xf32, #tpu.memory_space<vmem_shared>>
    %dma_start3A_22 = arith.constant 0 : i32
    %dma_start3A_23 = tpu.memref_slice %arg12[%mul3A_19, %dma_start3A_22] : memref<10000x128xf32, #tpu.memory_space<vmem_shared>> -> memref<80x128xf32, #tpu.memory_space<vmem_shared>>
    tpu.enqueue_dma source(%arg9 : memref<80x128xf32, #tpu.memory_space<vmem>>) target(%dma_start3A_23 : memref<80x128xf32, #tpu.memory_space<vmem_shared>>) target_semaphore(%arg13 : memref<!tpu.dma_semaphore, #tpu.memory_space<semaphore_mem>>)
    %add3A_24 = arith.constant 48 : i32
    %add3A_25 = arith.addi %arg1, %add3A_24 : i32
    %mul3A_26 = arith.constant 80 : i32
    %mul3A_27 = arith.muli %add3A_25, %mul3A_26 : i32
    %dma_start3A_28 = arith.constant 0 : i32
    %dma_start3A_29 = tpu.memref_slice %arg12[%mul3A_27, %dma_start3A_28] : memref<10000x128xf32, #tpu.memory_space<vmem_shared>> -> memref<80x128xf32, #tpu.memory_space<vmem_shared>>
    %dma_start3A_30 = arith.constant 0 : i32
    %dma_start3A_31 = tpu.memref_slice %arg12[%mul3A_27, %dma_start3A_30] : memref<10000x128xf32, #tpu.memory_space<vmem_shared>> -> memref<80x128xf32, #tpu.memory_space<vmem_shared>>
    tpu.enqueue_dma source(%arg9 : memref<80x128xf32, #tpu.memory_space<vmem>>) target(%dma_start3A_31 : memref<80x128xf32, #tpu.memory_space<vmem_shared>>) target_semaphore(%arg13 : memref<!tpu.dma_semaphore, #tpu.memory_space<semaphore_mem>>)
    %add3A_32 = arith.constant 64 : i32
    %add3A_33 = arith.addi %arg1, %add3A_32 : i32
    %mul3A_34 = arith.constant 80 : i32
    %mul3A_35 = arith.muli %add3A_33, %mul3A_34 : i32
    %dma_start3A_36 = arith.constant 0 : i32
    %dma_start3A_37 = tpu.memref_slice %arg12[%mul3A_35, %dma_start3A_36] : memref<10000x128xf32, #tpu.memory_space<vmem_shared>> -> memref<80x128xf32, #tpu.memory_space<vmem_shared>>
    %dma_start3A_38 = arith.constant 0 : i32
    %dma_start3A_39 = tpu.memref_slice %arg12[%mul3A_35, %dma_start3A_38] : memref<10000x128xf32, #tpu.memory_space<vmem_shared>> -> memref<80x128xf32, #tpu.memory_space<vmem_shared>>
    tpu.enqueue_dma source(%arg9 : memref<80x128xf32, #tpu.memory_space<vmem>>) target(%dma_start3A_39 : memref<80x128xf32, #tpu.memory_space<vmem_shared>>) target_semaphore(%arg13 : memref<!tpu.dma_semaphore, #tpu.memory_space<semaphore_mem>>)
    %add3A_40 = arith.constant 80 : i32
    %add3A_41 = arith.addi %arg1, %add3A_40 : i32
    %mul3A_42 = arith.constant 80 : i32
    %mul3A_43 = arith.muli %add3A_41, %mul3A_42 : i32
    %dma_start3A_44 = arith.constant 0 : i32
    %dma_start3A_45 = tpu.memref_slice %arg12[%mul3A_43, %dma_start3A_44] : memref<10000x128xf32, #tpu.memory_space<vmem_shared>> -> memref<80x128xf32, #tpu.memory_space<vmem_shared>>
    %dma_start3A_46 = arith.constant 0 : i32
    %dma_start3A_47 = tpu.memref_slice %arg12[%mul3A_43, %dma_start3A_46] : memref<10000x128xf32, #tpu.memory_space<vmem_shared>> -> memref<80x128xf32, #tpu.memory_space<vmem_shared>>
    tpu.enqueue_dma source(%arg9 : memref<80x128xf32, #tpu.memory_space<vmem>>) target(%dma_start3A_47 : memref<80x128xf32, #tpu.memory_space<vmem_shared>>) target_semaphore(%arg13 : memref<!tpu.dma_semaphore, #tpu.memory_space<semaphore_mem>>)
    %add3A_48 = arith.constant 96 : i32
    %add3A_49 = arith.addi %arg1, %add3A_48 : i32
    %mul3A_50 = arith.constant 80 : i32
    %mul3A_51 = arith.muli %add3A_49, %mul3A_50 : i32
    %dma_start3A_52 = arith.constant 0 : i32
    %dma_start3A_53 = tpu.memref_slice %arg12[%mul3A_51, %dma_start3A_52] : memref<10000x128xf32, #tpu.memory_space<vmem_shared>> -> memref<80x128xf32, #tpu.memory_space<vmem_shared>>
    %dma_start3A_54 = arith.constant 0 : i32
    %dma_start3A_55 = tpu.memref_slice %arg12[%mul3A_51, %dma_start3A_54] : memref<10000x128xf32, #tpu.memory_space<vmem_shared>> -> memref<80x128xf32, #tpu.memory_space<vmem_shared>>
    tpu.enqueue_dma source(%arg9 : memref<80x128xf32, #tpu.memory_space<vmem>>) target(%dma_start3A_55 : memref<80x128xf32, #tpu.memory_space<vmem_shared>>) target_semaphore(%arg13 : memref<!tpu.dma_semaphore, #tpu.memory_space<semaphore_mem>>)
    %add3A_56 = arith.constant 112 : i32
    %add3A_57 = arith.addi %arg1, %add3A_56 : i32
    %lt3A = arith.constant 125 : i32
    %lt3A_58 = arith.cmpi slt, %add3A_57, %lt3A : i32
    %convert_element_type3A = arith.extui %lt3A_58 : i1 to i32
    %cond3A = arith.constant 0 : i32
    %cond3A_59 = arith.cmpi ne, %convert_element_type3A, %cond3A : i32
    scf.if %cond3A_59 {
      %mul3A_310 = arith.constant 80 : i32
      %mul3A_311 = arith.muli %add3A_57, %mul3A_310 : i32
      %dma_start3A_312 = arith.constant 0 : i32
      %dma_start3A_313 = tpu.memref_slice %arg12[%mul3A_311, %dma_start3A_312] : memref<10000x128xf32, #tpu.memory_space<vmem_shared>> -> memref<80x128xf32, #tpu.memory_space<vmem_shared>>
      %dma_start3A_314 = arith.constant 0 : i32
      %dma_start3A_315 = tpu.memref_slice %arg12[%mul3A_311, %dma_start3A_314] : memref<10000x128xf32, #tpu.memory_space<vmem_shared>> -> memref<80x128xf32, #tpu.memory_space<vmem_shared>>
      tpu.enqueue_dma source(%arg9 : memref<80x128xf32, #tpu.memory_space<vmem>>) target(%dma_start3A_315 : memref<80x128xf32, #tpu.memory_space<vmem_shared>>) target_semaphore(%arg13 : memref<!tpu.dma_semaphore, #tpu.memory_space<semaphore_mem>>)
    } else {
    }
    %add3A_60 = arith.constant 0 : i32
    %add3A_61 = arith.addi %arg1, %add3A_60 : i32
    %mul3A_62 = arith.constant 80 : i32
    %mul3A_63 = arith.muli %add3A_61, %mul3A_62 : i32
    %dma_wait3A = arith.constant 0 : i32
    %dma_wait3A_64 = tpu.memref_slice %arg12[%mul3A_63, %dma_wait3A] : memref<10000x128xf32, #tpu.memory_space<vmem_shared>> -> memref<80x128xf32, #tpu.memory_space<vmem_shared>>
    %dma_wait3A_65 = arith.constant 0 : i32
    %dma_wait3A_66 = tpu.memref_slice %arg12[%mul3A_63, %dma_wait3A_65] : memref<10000x128xf32, #tpu.memory_space<vmem_shared>> -> memref<80x128xf32, #tpu.memory_space<vmem_shared>>
    tpu.wait_dma2 semaphore(%arg13 : memref<!tpu.dma_semaphore, #tpu.memory_space<semaphore_mem>>) src(%arg9 : memref<80x128xf32, #tpu.memory_space<vmem>>) dst(%dma_wait3A_66 : memref<80x128xf32, #tpu.memory_space<vmem_shared>>)
    %add3A_67 = arith.constant 16 : i32
    %add3A_68 = arith.addi %arg1, %add3A_67 : i32
    %mul3A_69 = arith.constant 80 : i32
    %mul3A_70 = arith.muli %add3A_68, %mul3A_69 : i32
    %dma_wait3A_71 = arith.constant 0 : i32
    %dma_wait3A_72 = tpu.memref_slice %arg12[%mul3A_70, %dma_wait3A_71] : memref<10000x128xf32, #tpu.memory_space<vmem_shared>> -> memref<80x128xf32, #tpu.memory_space<vmem_shared>>
    %dma_wait3A_73 = arith.constant 0 : i32
    %dma_wait3A_74 = tpu.memref_slice %arg12[%mul3A_70, %dma_wait3A_73] : memref<10000x128xf32, #tpu.memory_space<vmem_shared>> -> memref<80x128xf32, #tpu.memory_space<vmem_shared>>
    tpu.wait_dma2 semaphore(%arg13 : memref<!tpu.dma_semaphore, #tpu.memory_space<semaphore_mem>>) src(%arg9 : memref<80x128xf32, #tpu.memory_space<vmem>>) dst(%dma_wait3A_74 : memref<80x128xf32, #tpu.memory_space<vmem_shared>>)
    %add3A_75 = arith.constant 32 : i32
    %add3A_76 = arith.addi %arg1, %add3A_75 : i32
    %mul3A_77 = arith.constant 80 : i32
    %mul3A_78 = arith.muli %add3A_76, %mul3A_77 : i32
    %dma_wait3A_79 = arith.constant 0 : i32
    %dma_wait3A_80 = tpu.memref_slice %arg12[%mul3A_78, %dma_wait3A_79] : memref<10000x128xf32, #tpu.memory_space<vmem_shared>> -> memref<80x128xf32, #tpu.memory_space<vmem_shared>>
    %dma_wait3A_81 = arith.constant 0 : i32
    %dma_wait3A_82 = tpu.memref_slice %arg12[%mul3A_78, %dma_wait3A_81] : memref<10000x128xf32, #tpu.memory_space<vmem_shared>> -> memref<80x128xf32, #tpu.memory_space<vmem_shared>>
    tpu.wait_dma2 semaphore(%arg13 : memref<!tpu.dma_semaphore, #tpu.memory_space<semaphore_mem>>) src(%arg9 : memref<80x128xf32, #tpu.memory_space<vmem>>) dst(%dma_wait3A_82 : memref<80x128xf32, #tpu.memory_space<vmem_shared>>)
    %add3A_83 = arith.constant 48 : i32
    %add3A_84 = arith.addi %arg1, %add3A_83 : i32
    %mul3A_85 = arith.constant 80 : i32
    %mul3A_86 = arith.muli %add3A_84, %mul3A_85 : i32
    %dma_wait3A_87 = arith.constant 0 : i32
    %dma_wait3A_88 = tpu.memref_slice %arg12[%mul3A_86, %dma_wait3A_87] : memref<10000x128xf32, #tpu.memory_space<vmem_shared>> -> memref<80x128xf32, #tpu.memory_space<vmem_shared>>
    %dma_wait3A_89 = arith.constant 0 : i32
    %dma_wait3A_90 = tpu.memref_slice %arg12[%mul3A_86, %dma_wait3A_89] : memref<10000x128xf32, #tpu.memory_space<vmem_shared>> -> memref<80x128xf32, #tpu.memory_space<vmem_shared>>
    tpu.wait_dma2 semaphore(%arg13 : memref<!tpu.dma_semaphore, #tpu.memory_space<semaphore_mem>>) src(%arg9 : memref<80x128xf32, #tpu.memory_space<vmem>>) dst(%dma_wait3A_90 : memref<80x128xf32, #tpu.memory_space<vmem_shared>>)
    %add3A_91 = arith.constant 64 : i32
    %add3A_92 = arith.addi %arg1, %add3A_91 : i32
    %mul3A_93 = arith.constant 80 : i32
    %mul3A_94 = arith.muli %add3A_92, %mul3A_93 : i32
    %dma_wait3A_95 = arith.constant 0 : i32
    %dma_wait3A_96 = tpu.memref_slice %arg12[%mul3A_94, %dma_wait3A_95] : memref<10000x128xf32, #tpu.memory_space<vmem_shared>> -> memref<80x128xf32, #tpu.memory_space<vmem_shared>>
    %dma_wait3A_97 = arith.constant 0 : i32
    %dma_wait3A_98 = tpu.memref_slice %arg12[%mul3A_94, %dma_wait3A_97] : memref<10000x128xf32, #tpu.memory_space<vmem_shared>> -> memref<80x128xf32, #tpu.memory_space<vmem_shared>>
    tpu.wait_dma2 semaphore(%arg13 : memref<!tpu.dma_semaphore, #tpu.memory_space<semaphore_mem>>) src(%arg9 : memref<80x128xf32, #tpu.memory_space<vmem>>) dst(%dma_wait3A_98 : memref<80x128xf32, #tpu.memory_space<vmem_shared>>)
    %add3A_99 = arith.constant 80 : i32
    %add3A_100 = arith.addi %arg1, %add3A_99 : i32
    %mul3A_101 = arith.constant 80 : i32
    %mul3A_102 = arith.muli %add3A_100, %mul3A_101 : i32
    %dma_wait3A_103 = arith.constant 0 : i32
    %dma_wait3A_104 = tpu.memref_slice %arg12[%mul3A_102, %dma_wait3A_103] : memref<10000x128xf32, #tpu.memory_space<vmem_shared>> -> memref<80x128xf32, #tpu.memory_space<vmem_shared>>
    %dma_wait3A_105 = arith.constant 0 : i32
    %dma_wait3A_106 = tpu.memref_slice %arg12[%mul3A_102, %dma_wait3A_105] : memref<10000x128xf32, #tpu.memory_space<vmem_shared>> -> memref<80x128xf32, #tpu.memory_space<vmem_shared>>
    tpu.wait_dma2 semaphore(%arg13 : memref<!tpu.dma_semaphore, #tpu.memory_space<semaphore_mem>>) src(%arg9 : memref<80x128xf32, #tpu.memory_space<vmem>>) dst(%dma_wait3A_106 : memref<80x128xf32, #tpu.memory_space<vmem_shared>>)
    %add3A_107 = arith.constant 96 : i32
    %add3A_108 = arith.addi %arg1, %add3A_107 : i32
    %mul3A_109 = arith.constant 80 : i32
    %mul3A_110 = arith.muli %add3A_108, %mul3A_109 : i32
    %dma_wait3A_111 = arith.constant 0 : i32
    %dma_wait3A_112 = tpu.memref_slice %arg12[%mul3A_110, %dma_wait3A_111] : memref<10000x128xf32, #tpu.memory_space<vmem_shared>> -> memref<80x128xf32, #tpu.memory_space<vmem_shared>>
    %dma_wait3A_113 = arith.constant 0 : i32
    %dma_wait3A_114 = tpu.memref_slice %arg12[%mul3A_110, %dma_wait3A_113] : memref<10000x128xf32, #tpu.memory_space<vmem_shared>> -> memref<80x128xf32, #tpu.memory_space<vmem_shared>>
    tpu.wait_dma2 semaphore(%arg13 : memref<!tpu.dma_semaphore, #tpu.memory_space<semaphore_mem>>) src(%arg9 : memref<80x128xf32, #tpu.memory_space<vmem>>) dst(%dma_wait3A_114 : memref<80x128xf32, #tpu.memory_space<vmem_shared>>)
    %add3A_115 = arith.constant 112 : i32
    %add3A_116 = arith.addi %arg1, %add3A_115 : i32
    %lt3A_117 = arith.constant 125 : i32
    %lt3A_118 = arith.cmpi slt, %add3A_116, %lt3A_117 : i32
    %convert_element_type3A_119 = arith.extui %lt3A_118 : i1 to i32
    %cond3A_120 = arith.constant 0 : i32
    %cond3A_121 = arith.cmpi ne, %convert_element_type3A_119, %cond3A_120 : i32
    scf.if %cond3A_121 {
      %mul3A_310 = arith.constant 80 : i32
      %mul3A_311 = arith.muli %add3A_116, %mul3A_310 : i32
      %dma_wait3A_312 = arith.constant 0 : i32
      %dma_wait3A_313 = tpu.memref_slice %arg12[%mul3A_311, %dma_wait3A_312] : memref<10000x128xf32, #tpu.memory_space<vmem_shared>> -> memref<80x128xf32, #tpu.memory_space<vmem_shared>>
      %dma_wait3A_314 = arith.constant 0 : i32
      %dma_wait3A_315 = tpu.memref_slice %arg12[%mul3A_311, %dma_wait3A_314] : memref<10000x128xf32, #tpu.memory_space<vmem_shared>> -> memref<80x128xf32, #tpu.memory_space<vmem_shared>>
      tpu.wait_dma2 semaphore(%arg13 : memref<!tpu.dma_semaphore, #tpu.memory_space<semaphore_mem>>) src(%arg9 : memref<80x128xf32, #tpu.memory_space<vmem>>) dst(%dma_wait3A_315 : memref<80x128xf32, #tpu.memory_space<vmem_shared>>)
    } else {
    }
    %barrier3A = arith.constant 0 : index
    tpu.barrier barrier_id(%barrier3A)
    %mul3A_122 = arith.constant 10000 : i32
    %mul3A_123 = arith.muli %add3A, %mul3A_122 : i32
    %broadcast_in_dim3A = arith.constant 1.000000e+00 : f32
    %broadcast_in_dim3A_124 = vector.broadcast %broadcast_in_dim3A : f32 to vector<16xf32>
    %add3A_125 = arith.constant 0 : i32
    %add3A_126 = arith.addi %mul3A_123, %add3A_125 : i32
    %dma_start3A_127 = arith.constant 0 : i32
    %dma_start3A_128 = tpu.memref_slice %arg3[%add3A_126, %dma_start3A_127] : memref<320000x128xf32, #tpu.memory_space<hbm>> -> memref<80x128xf32, #tpu.memory_space<hbm>>
    %dma_start3A_129 = arith.constant 0 : i32
    %dma_start3A_130 = tpu.memref_slice %arg3[%add3A_126, %dma_start3A_129] : memref<320000x128xf32, #tpu.memory_space<hbm>> -> memref<80x128xf32, #tpu.memory_space<hbm>>
    tpu.enqueue_dma source(%dma_start3A_130 : memref<80x128xf32, #tpu.memory_space<hbm>>) target(%arg9 : memref<80x128xf32, #tpu.memory_space<vmem>>) target_semaphore(%arg13 : memref<!tpu.dma_semaphore, #tpu.memory_space<semaphore_mem>>)
    %scan3A = arith.constant 0 : i32
    %scan3A_131 = arith.constant 0 : i32
    %scan3A_132 = arith.constant 62 : i32
    %scan3A_133 = arith.addi %scan3A_131, %scan3A_132 : i32
    %scan3A_134 = arith.constant 1 : i32
    scf.for %scan3A_310 = %scan3A_131 to %scan3A_133 step %scan3A_134  : i32 {
      %mul3A_311 = arith.constant 2 : i32
      %mul3A_312 = arith.muli %mul3A_311, %scan3A_310 : i32
      %mul3A_313 = arith.constant 80 : i32
      %mul3A_314 = arith.muli %mul3A_312, %mul3A_313 : i32
      %add3A_315 = arith.addi %mul3A_123, %mul3A_314 : i32
      %dma_wait3A_316 = arith.constant 0 : i32
      %dma_wait3A_317 = tpu.memref_slice %arg3[%add3A_315, %dma_wait3A_316] : memref<320000x128xf32, #tpu.memory_space<hbm>> -> memref<80x128xf32, #tpu.memory_space<hbm>>
      %dma_wait3A_318 = arith.constant 0 : i32
      %dma_wait3A_319 = tpu.memref_slice %arg3[%add3A_315, %dma_wait3A_318] : memref<320000x128xf32, #tpu.memory_space<hbm>> -> memref<80x128xf32, #tpu.memory_space<hbm>>
      tpu.wait_dma2 semaphore(%arg13 : memref<!tpu.dma_semaphore, #tpu.memory_space<semaphore_mem>>) src(%dma_wait3A_319 : memref<80x128xf32, #tpu.memory_space<hbm>>) dst(%arg9 : memref<80x128xf32, #tpu.memory_space<vmem>>)
      %add3A_320 = arith.constant 1 : i32
      %add3A_321 = arith.addi %mul3A_312, %add3A_320 : i32
      %mul3A_322 = arith.constant 80 : i32
      %mul3A_323 = arith.muli %add3A_321, %mul3A_322 : i32
      %add3A_324 = arith.addi %mul3A_123, %mul3A_323 : i32
      %dma_start3A_325 = arith.constant 0 : i32
      %dma_start3A_326 = tpu.memref_slice %arg3[%add3A_324, %dma_start3A_325] : memref<320000x128xf32, #tpu.memory_space<hbm>> -> memref<80x128xf32, #tpu.memory_space<hbm>>
      %dma_start3A_327 = arith.constant 0 : i32
      %dma_start3A_328 = tpu.memref_slice %arg3[%add3A_324, %dma_start3A_327] : memref<320000x128xf32, #tpu.memory_space<hbm>> -> memref<80x128xf32, #tpu.memory_space<hbm>>
      tpu.enqueue_dma source(%dma_start3A_328 : memref<80x128xf32, #tpu.memory_space<hbm>>) target(%arg10 : memref<80x128xf32, #tpu.memory_space<vmem>>) target_semaphore(%arg14 : memref<!tpu.dma_semaphore, #tpu.memory_space<semaphore_mem>>)
      "tpu.region"() ({
        %run_scoped3A_379 = tpu.sem_alloc : memref<!tpu.dma_semaphore, #tpu.memory_space<semaphore_mem>>
        %dma_start3A_380 = arith.constant 0 : i32
        %dma_start3A_381 = tpu.memref_slice %arg8[%mul3A_312, %dma_start3A_380] : memref<125x80xi32, #tpu.memory_space<vmem>> -> memref<1x80xi32, #tpu.memory_space<vmem>>
        %dma_start3A_382 = tpu.memref_squeeze %dma_start3A_381 : memref<1x80xi32, #tpu.memory_space<vmem>> -> memref<80xi32, #tpu.memory_space<vmem>>
        %dma_start3A_383 = arith.constant 0 : i32
        %dma_start3A_384 = arith.constant 0 : i32
        %dma_start3A_385 = tpu.memref_slice %arg12[%dma_start3A_383, %dma_start3A_384] : memref<10000x128xf32, #tpu.memory_space<vmem_shared>> -> memref<10000x128xf32, #tpu.memory_space<vmem_shared>>
        tpu.enqueue_indirect_dma source(%arg9 : memref<80x128xf32, #tpu.memory_space<vmem>>) target(%dma_start3A_385 : memref<10000x128xf32, #tpu.memory_space<vmem_shared>>) offsets(%dma_start3A_382 : memref<80xi32, #tpu.memory_space<vmem>>) semaphore(%run_scoped3A_379 : memref<!tpu.dma_semaphore, #tpu.memory_space<semaphore_mem>>) {add = true}
        %dma_wait3A_386 = arith.constant 0 : i32
        %dma_wait3A_387 = tpu.memref_slice %arg8[%mul3A_312, %dma_wait3A_386] : memref<125x80xi32, #tpu.memory_space<vmem>> -> memref<1x80xi32, #tpu.memory_space<vmem>>
        %dma_wait3A_388 = tpu.memref_squeeze %dma_wait3A_387 : memref<1x80xi32, #tpu.memory_space<vmem>> -> memref<80xi32, #tpu.memory_space<vmem>>
        %dma_wait3A_389 = arith.constant 0 : i32
        %dma_wait3A_390 = arith.constant 0 : i32
        %dma_wait3A_391 = tpu.memref_slice %arg12[%dma_wait3A_389, %dma_wait3A_390] : memref<10000x128xf32, #tpu.memory_space<vmem_shared>> -> memref<10000x128xf32, #tpu.memory_space<vmem_shared>>
        tpu.wait_indirect_dma semaphore(%run_scoped3A_379 : memref<!tpu.dma_semaphore, #tpu.memory_space<semaphore_mem>>) src(%arg9 : memref<80x128xf32, #tpu.memory_space<vmem>>) dst(%dma_wait3A_391 : memref<10000x128xf32, #tpu.memory_space<vmem_shared>>)
        tpu.yield
      }) : () -> ()
      %get3A_329 = arith.index_cast %mul3A_312 : i32 to index
      %get3A_330 = arith.constant 0 : index
      %get3A_331 = tpu.vector_load %arg8[%get3A_329, %get3A_330] {strides = array<i32>} : memref<125x80xi32, #tpu.memory_space<vmem>>, vector<16xi32>,
      tpu.vector_store_idx %arg11[%get3A_331], %broadcast_in_dim3A_124 {add = true} : memref<10000xf32, #tpu.memory_space<vmem>>[vector<16xi32>], vector<16xf32>,
      %get3A_332 = arith.index_cast %mul3A_312 : i32 to index
      %get3A_333 = arith.constant 16 : index
      %get3A_334 = tpu.vector_load %arg8[%get3A_332, %get3A_333] {strides = array<i32>} : memref<125x80xi32, #tpu.memory_space<vmem>>, vector<16xi32>,
      tpu.vector_store_idx %arg11[%get3A_334], %broadcast_in_dim3A_124 {add = true} : memref<10000xf32, #tpu.memory_space<vmem>>[vector<16xi32>], vector<16xf32>,
      %get3A_335 = arith.index_cast %mul3A_312 : i32 to index
      %get3A_336 = arith.constant 32 : index
      %get3A_337 = tpu.vector_load %arg8[%get3A_335, %get3A_336] {strides = array<i32>} : memref<125x80xi32, #tpu.memory_space<vmem>>, vector<16xi32>,
      tpu.vector_store_idx %arg11[%get3A_337], %broadcast_in_dim3A_124 {add = true} : memref<10000xf32, #tpu.memory_space<vmem>>[vector<16xi32>], vector<16xf32>,
      %get3A_338 = arith.index_cast %mul3A_312 : i32 to index
      %get3A_339 = arith.constant 48 : index
      %get3A_340 = tpu.vector_load %arg8[%get3A_338, %get3A_339] {strides = array<i32>} : memref<125x80xi32, #tpu.memory_space<vmem>>, vector<16xi32>,
      tpu.vector_store_idx %arg11[%get3A_340], %broadcast_in_dim3A_124 {add = true} : memref<10000xf32, #tpu.memory_space<vmem>>[vector<16xi32>], vector<16xf32>,
      %get3A_341 = arith.index_cast %mul3A_312 : i32 to index
      %get3A_342 = arith.constant 64 : index
      %get3A_343 = tpu.vector_load %arg8[%get3A_341, %get3A_342] {strides = array<i32>} : memref<125x80xi32, #tpu.memory_space<vmem>>, vector<16xi32>,
      tpu.vector_store_idx %arg11[%get3A_343], %broadcast_in_dim3A_124 {add = true} : memref<10000xf32, #tpu.memory_space<vmem>>[vector<16xi32>], vector<16xf32>,
      %add3A_344 = arith.constant 1 : i32
      %add3A_345 = arith.addi %mul3A_312, %add3A_344 : i32
      %mul3A_346 = arith.constant 80 : i32
      %mul3A_347 = arith.muli %add3A_345, %mul3A_346 : i32
      %add3A_348 = arith.addi %mul3A_123, %mul3A_347 : i32
      %dma_wait3A_349 = arith.constant 0 : i32
      %dma_wait3A_350 = tpu.memref_slice %arg3[%add3A_348, %dma_wait3A_349] : memref<320000x128xf32, #tpu.memory_space<hbm>> -> memref<80x128xf32, #tpu.memory_space<hbm>>
      %dma_wait3A_351 = arith.constant 0 : i32
      %dma_wait3A_352 = tpu.memref_slice %arg3[%add3A_348, %dma_wait3A_351] : memref<320000x128xf32, #tpu.memory_space<hbm>> -> memref<80x128xf32, #tpu.memory_space<hbm>>
      tpu.wait_dma2 semaphore(%arg14 : memref<!tpu.dma_semaphore, #tpu.memory_space<semaphore_mem>>) src(%dma_wait3A_352 : memref<80x128xf32, #tpu.memory_space<hbm>>) dst(%arg10 : memref<80x128xf32, #tpu.memory_space<vmem>>)
      %add3A_353 = arith.constant 2 : i32
      %add3A_354 = arith.addi %mul3A_312, %add3A_353 : i32
      %lt3A_355 = arith.constant 125 : i32
      %lt3A_356 = arith.cmpi slt, %add3A_354, %lt3A_355 : i32
      %convert_element_type3A_357 = arith.extui %lt3A_356 : i1 to i32
      %cond3A_358 = arith.constant 0 : i32
      %cond3A_359 = arith.cmpi ne, %convert_element_type3A_357, %cond3A_358 : i32
      scf.if %cond3A_359 {
        %add3A_379 = arith.constant 2 : i32
        %add3A_380 = arith.addi %mul3A_312, %add3A_379 : i32
        %mul3A_381 = arith.constant 80 : i32
        %mul3A_382 = arith.muli %add3A_380, %mul3A_381 : i32
        %add3A_383 = arith.addi %mul3A_123, %mul3A_382 : i32
        %dma_start3A_384 = arith.constant 0 : i32
        %dma_start3A_385 = tpu.memref_slice %arg3[%add3A_383, %dma_start3A_384] : memref<320000x128xf32, #tpu.memory_space<hbm>> -> memref<80x128xf32, #tpu.memory_space<hbm>>
        %dma_start3A_386 = arith.constant 0 : i32
        %dma_start3A_387 = tpu.memref_slice %arg3[%add3A_383, %dma_start3A_386] : memref<320000x128xf32, #tpu.memory_space<hbm>> -> memref<80x128xf32, #tpu.memory_space<hbm>>
        tpu.enqueue_dma source(%dma_start3A_387 : memref<80x128xf32, #tpu.memory_space<hbm>>) target(%arg9 : memref<80x128xf32, #tpu.memory_space<vmem>>) target_semaphore(%arg13 : memref<!tpu.dma_semaphore, #tpu.memory_space<semaphore_mem>>)
      } else {
      }
      %add3A_360 = arith.constant 1 : i32
      %add3A_361 = arith.addi %mul3A_312, %add3A_360 : i32
      "tpu.region"() ({
        %run_scoped3A_379 = tpu.sem_alloc : memref<!tpu.dma_semaphore, #tpu.memory_space<semaphore_mem>>
        %dma_start3A_380 = arith.constant 0 : i32
        %dma_start3A_381 = tpu.memref_slice %arg8[%add3A_361, %dma_start3A_380] : memref<125x80xi32, #tpu.memory_space<vmem>> -> memref<1x80xi32, #tpu.memory_space<vmem>>
        %dma_start3A_382 = tpu.memref_squeeze %dma_start3A_381 : memref<1x80xi32, #tpu.memory_space<vmem>> -> memref<80xi32, #tpu.memory_space<vmem>>
        %dma_start3A_383 = arith.constant 0 : i32
        %dma_start3A_384 = arith.constant 0 : i32
        %dma_start3A_385 = tpu.memref_slice %arg12[%dma_start3A_383, %dma_start3A_384] : memref<10000x128xf32, #tpu.memory_space<vmem_shared>> -> memref<10000x128xf32, #tpu.memory_space<vmem_shared>>
        tpu.enqueue_indirect_dma source(%arg10 : memref<80x128xf32, #tpu.memory_space<vmem>>) target(%dma_start3A_385 : memref<10000x128xf32, #tpu.memory_space<vmem_shared>>) offsets(%dma_start3A_382 : memref<80xi32, #tpu.memory_space<vmem>>) semaphore(%run_scoped3A_379 : memref<!tpu.dma_semaphore, #tpu.memory_space<semaphore_mem>>) {add = true}
        %dma_wait3A_386 = arith.constant 0 : i32
        %dma_wait3A_387 = tpu.memref_slice %arg8[%add3A_361, %dma_wait3A_386] : memref<125x80xi32, #tpu.memory_space<vmem>> -> memref<1x80xi32, #tpu.memory_space<vmem>>
        %dma_wait3A_388 = tpu.memref_squeeze %dma_wait3A_387 : memref<1x80xi32, #tpu.memory_space<vmem>> -> memref<80xi32, #tpu.memory_space<vmem>>
        %dma_wait3A_389 = arith.constant 0 : i32
        %dma_wait3A_390 = arith.constant 0 : i32
        %dma_wait3A_391 = tpu.memref_slice %arg12[%dma_wait3A_389, %dma_wait3A_390] : memref<10000x128xf32, #tpu.memory_space<vmem_shared>> -> memref<10000x128xf32, #tpu.memory_space<vmem_shared>>
        tpu.wait_indirect_dma semaphore(%run_scoped3A_379 : memref<!tpu.dma_semaphore, #tpu.memory_space<semaphore_mem>>) src(%arg10 : memref<80x128xf32, #tpu.memory_space<vmem>>) dst(%dma_wait3A_391 : memref<10000x128xf32, #tpu.memory_space<vmem_shared>>)
        tpu.yield
      }) : () -> ()
      %add3A_362 = arith.constant 1 : i32
      %add3A_363 = arith.addi %mul3A_312, %add3A_362 : i32
      %get3A_364 = arith.index_cast %add3A_363 : i32 to index
      %get3A_365 = arith.constant 0 : index
      %get3A_366 = tpu.vector_load %arg8[%get3A_364, %get3A_365] {strides = array<i32>} : memref<125x80xi32, #tpu.memory_space<vmem>>, vector<16xi32>,
      tpu.vector_store_idx %arg11[%get3A_366], %broadcast_in_dim3A_124 {add = true} : memref<10000xf32, #tpu.memory_space<vmem>>[vector<16xi32>], vector<16xf32>,
      %get3A_367 = arith.index_cast %add3A_363 : i32 to index
      %get3A_368 = arith.constant 16 : index
      %get3A_369 = tpu.vector_load %arg8[%get3A_367, %get3A_368] {strides = array<i32>} : memref<125x80xi32, #tpu.memory_space<vmem>>, vector<16xi32>,
      tpu.vector_store_idx %arg11[%get3A_369], %broadcast_in_dim3A_124 {add = true} : memref<10000xf32, #tpu.memory_space<vmem>>[vector<16xi32>], vector<16xf32>,
      %get3A_370 = arith.index_cast %add3A_363 : i32 to index
      %get3A_371 = arith.constant 32 : index
      %get3A_372 = tpu.vector_load %arg8[%get3A_370, %get3A_371] {strides = array<i32>} : memref<125x80xi32, #tpu.memory_space<vmem>>, vector<16xi32>,
      tpu.vector_store_idx %arg11[%get3A_372], %broadcast_in_dim3A_124 {add = true} : memref<10000xf32, #tpu.memory_space<vmem>>[vector<16xi32>], vector<16xf32>,
      %get3A_373 = arith.index_cast %add3A_363 : i32 to index
      %get3A_374 = arith.constant 48 : index
      %get3A_375 = tpu.vector_load %arg8[%get3A_373, %get3A_374] {strides = array<i32>} : memref<125x80xi32, #tpu.memory_space<vmem>>, vector<16xi32>,
      tpu.vector_store_idx %arg11[%get3A_375], %broadcast_in_dim3A_124 {add = true} : memref<10000xf32, #tpu.memory_space<vmem>>[vector<16xi32>], vector<16xf32>,
      %get3A_376 = arith.index_cast %add3A_363 : i32 to index
      %get3A_377 = arith.constant 64 : index
      %get3A_378 = tpu.vector_load %arg8[%get3A_376, %get3A_377] {strides = array<i32>} : memref<125x80xi32, #tpu.memory_space<vmem>>, vector<16xi32>,
      tpu.vector_store_idx %arg11[%get3A_378], %broadcast_in_dim3A_124 {add = true} : memref<10000xf32, #tpu.memory_space<vmem>>[vector<16xi32>], vector<16xf32>,
    }
    %scan3A_135 = arith.constant 62 : i32
    %add3A_136 = arith.constant 9920 : i32
    %add3A_137 = arith.addi %mul3A_123, %add3A_136 : i32
    %dma_wait3A_138 = arith.constant 0 : i32
    %dma_wait3A_139 = tpu.memref_slice %arg3[%add3A_137, %dma_wait3A_138] : memref<320000x128xf32, #tpu.memory_space<hbm>> -> memref<80x128xf32, #tpu.memory_space<hbm>>
    %dma_wait3A_140 = arith.constant 0 : i32
    %dma_wait3A_141 = tpu.memref_slice %arg3[%add3A_137, %dma_wait3A_140] : memref<320000x128xf32, #tpu.memory_space<hbm>> -> memref<80x128xf32, #tpu.memory_space<hbm>>
    tpu.wait_dma2 semaphore(%arg13 : memref<!tpu.dma_semaphore, #tpu.memory_space<semaphore_mem>>) src(%dma_wait3A_141 : memref<80x128xf32, #tpu.memory_space<hbm>>) dst(%arg9 : memref<80x128xf32, #tpu.memory_space<vmem>>)
    %run_scoped3A = arith.constant 124 : i32
    "tpu.region"() ({
      %run_scoped3A_310 = tpu.sem_alloc : memref<!tpu.dma_semaphore, #tpu.memory_space<semaphore_mem>>
      %dma_start3A_311 = arith.constant 0 : i32
      %dma_start3A_312 = tpu.memref_slice %arg8[%run_scoped3A, %dma_start3A_311] : memref<125x80xi32, #tpu.memory_space<vmem>> -> memref<1x80xi32, #tpu.memory_space<vmem>>
      %dma_start3A_313 = tpu.memref_squeeze %dma_start3A_312 : memref<1x80xi32, #tpu.memory_space<vmem>> -> memref<80xi32, #tpu.memory_space<vmem>>
      %dma_start3A_314 = arith.constant 0 : i32
      %dma_start3A_315 = arith.constant 0 : i32
      %dma_start3A_316 = tpu.memref_slice %arg12[%dma_start3A_314, %dma_start3A_315] : memref<10000x128xf32, #tpu.memory_space<vmem_shared>> -> memref<10000x128xf32, #tpu.memory_space<vmem_shared>>
      tpu.enqueue_indirect_dma source(%arg9 : memref<80x128xf32, #tpu.memory_space<vmem>>) target(%dma_start3A_316 : memref<10000x128xf32, #tpu.memory_space<vmem_shared>>) offsets(%dma_start3A_313 : memref<80xi32, #tpu.memory_space<vmem>>) semaphore(%run_scoped3A_310 : memref<!tpu.dma_semaphore, #tpu.memory_space<semaphore_mem>>) {add = true}
      %dma_wait3A_317 = arith.constant 0 : i32
      %dma_wait3A_318 = tpu.memref_slice %arg8[%run_scoped3A, %dma_wait3A_317] : memref<125x80xi32, #tpu.memory_space<vmem>> -> memref<1x80xi32, #tpu.memory_space<vmem>>
      %dma_wait3A_319 = tpu.memref_squeeze %dma_wait3A_318 : memref<1x80xi32, #tpu.memory_space<vmem>> -> memref<80xi32, #tpu.memory_space<vmem>>
      %dma_wait3A_320 = arith.constant 0 : i32
      %dma_wait3A_321 = arith.constant 0 : i32
      %dma_wait3A_322 = tpu.memref_slice %arg12[%dma_wait3A_320, %dma_wait3A_321] : memref<10000x128xf32, #tpu.memory_space<vmem_shared>> -> memref<10000x128xf32, #tpu.memory_space<vmem_shared>>
      tpu.wait_indirect_dma semaphore(%run_scoped3A_310 : memref<!tpu.dma_semaphore, #tpu.memory_space<semaphore_mem>>) src(%arg9 : memref<80x128xf32, #tpu.memory_space<vmem>>) dst(%dma_wait3A_322 : memref<10000x128xf32, #tpu.memory_space<vmem_shared>>)
      tpu.yield
    }) : () -> ()
    %get3A = arith.constant 124 : i32
    %get3A_142 = arith.index_cast %get3A : i32 to index
    %get3A_143 = arith.constant 0 : index
    %get3A_144 = tpu.vector_load %arg8[%get3A_142, %get3A_143] {strides = array<i32>} : memref<125x80xi32, #tpu.memory_space<vmem>>, vector<16xi32>,
    tpu.vector_store_idx %arg11[%get3A_144], %broadcast_in_dim3A_124 {add = true} : memref<10000xf32, #tpu.memory_space<vmem>>[vector<16xi32>], vector<16xf32>,
    %get3A_145 = arith.constant 124 : i32
    %get3A_146 = arith.index_cast %get3A_145 : i32 to index
    %get3A_147 = arith.constant 16 : index
    %get3A_148 = tpu.vector_load %arg8[%get3A_146, %get3A_147] {strides = array<i32>} : memref<125x80xi32, #tpu.memory_space<vmem>>, vector<16xi32>,
    tpu.vector_store_idx %arg11[%get3A_148], %broadcast_in_dim3A_124 {add = true} : memref<10000xf32, #tpu.memory_space<vmem>>[vector<16xi32>], vector<16xf32>,
    %get3A_149 = arith.constant 124 : i32
    %get3A_150 = arith.index_cast %get3A_149 : i32 to index
    %get3A_151 = arith.constant 32 : index
    %get3A_152 = tpu.vector_load %arg8[%get3A_150, %get3A_151] {strides = array<i32>} : memref<125x80xi32, #tpu.memory_space<vmem>>, vector<16xi32>,
    tpu.vector_store_idx %arg11[%get3A_152], %broadcast_in_dim3A_124 {add = true} : memref<10000xf32, #tpu.memory_space<vmem>>[vector<16xi32>], vector<16xf32>,
    %get3A_153 = arith.constant 124 : i32
    %get3A_154 = arith.index_cast %get3A_153 : i32 to index
    %get3A_155 = arith.constant 48 : index
    %get3A_156 = tpu.vector_load %arg8[%get3A_154, %get3A_155] {strides = array<i32>} : memref<125x80xi32, #tpu.memory_space<vmem>>, vector<16xi32>,
    tpu.vector_store_idx %arg11[%get3A_156], %broadcast_in_dim3A_124 {add = true} : memref<10000xf32, #tpu.memory_space<vmem>>[vector<16xi32>], vector<16xf32>,
    %get3A_157 = arith.constant 124 : i32
    %get3A_158 = arith.index_cast %get3A_157 : i32 to index
    %get3A_159 = arith.constant 64 : index
    %get3A_160 = tpu.vector_load %arg8[%get3A_158, %get3A_159] {strides = array<i32>} : memref<125x80xi32, #tpu.memory_space<vmem>>, vector<16xi32>,
    tpu.vector_store_idx %arg11[%get3A_160], %broadcast_in_dim3A_124 {add = true} : memref<10000xf32, #tpu.memory_space<vmem>>[vector<16xi32>], vector<16xf32>,
    %barrier3A_161 = arith.constant 0 : index
    tpu.barrier barrier_id(%barrier3A_161)
    %add3A_162 = arith.constant 0 : i32
    %add3A_163 = arith.addi %arg1, %add3A_162 : i32
    %mul3A_164 = arith.constant 80 : i32
    %mul3A_165 = arith.muli %add3A_163, %mul3A_164 : i32
    "tpu.region"() ({
      %run_scoped3A_310 = tpu.sem_alloc : memref<!tpu.dma_semaphore, #tpu.memory_space<semaphore_mem>>
      %dma_start3A_311 = arith.constant 0 : i32
      %dma_start3A_312 = tpu.memref_slice %arg12[%mul3A_165, %dma_start3A_311] : memref<10000x128xf32, #tpu.memory_space<vmem_shared>> -> memref<80x128xf32, #tpu.memory_space<vmem_shared>>
      %dma_start3A_313 = arith.constant 0 : i32
      %dma_start3A_314 = tpu.memref_slice %arg12[%mul3A_165, %dma_start3A_313] : memref<10000x128xf32, #tpu.memory_space<vmem_shared>> -> memref<80x128xf32, #tpu.memory_space<vmem_shared>>
      tpu.enqueue_dma source(%dma_start3A_314 : memref<80x128xf32, #tpu.memory_space<vmem_shared>>) target(%arg9 : memref<80x128xf32, #tpu.memory_space<vmem>>) target_semaphore(%run_scoped3A_310 : memref<!tpu.dma_semaphore, #tpu.memory_space<semaphore_mem>>)
      %dma_wait3A_315 = arith.constant 0 : i32
      %dma_wait3A_316 = tpu.memref_slice %arg12[%mul3A_165, %dma_wait3A_315] : memref<10000x128xf32, #tpu.memory_space<vmem_shared>> -> memref<80x128xf32, #tpu.memory_space<vmem_shared>>
      %dma_wait3A_317 = arith.constant 0 : i32
      %dma_wait3A_318 = tpu.memref_slice %arg12[%mul3A_165, %dma_wait3A_317] : memref<10000x128xf32, #tpu.memory_space<vmem_shared>> -> memref<80x128xf32, #tpu.memory_space<vmem_shared>>
      tpu.wait_dma2 semaphore(%run_scoped3A_310 : memref<!tpu.dma_semaphore, #tpu.memory_space<semaphore_mem>>) src(%dma_wait3A_318 : memref<80x128xf32, #tpu.memory_space<vmem_shared>>) dst(%arg9 : memref<80x128xf32, #tpu.memory_space<vmem>>)
      tpu.yield
    }) : () -> ()
    %mul3A_166 = arith.constant 80 : i32
    %mul3A_167 = arith.muli %add3A_163, %mul3A_166 : i32
    %dma_start3A_168 = arith.constant 0 : i32
    %dma_start3A_169 = tpu.memref_slice %arg6[%arg0, %mul3A_167, %dma_start3A_168] : memref<2x10000x128xf32, #tpu.memory_space<hbm>> -> memref<1x80x128xf32, #tpu.memory_space<hbm>>
    %dma_start3A_170 = tpu.memref_squeeze %dma_start3A_169 : memref<1x80x128xf32, #tpu.memory_space<hbm>> -> memref<80x128xf32, #tpu.memory_space<hbm>>
    %dma_start3A_171 = arith.constant 0 : i32
    %dma_start3A_172 = tpu.memref_slice %arg6[%arg0, %mul3A_167, %dma_start3A_171] : memref<2x10000x128xf32, #tpu.memory_space<hbm>> -> memref<1x80x128xf32, #tpu.memory_space<hbm>>
    %dma_start3A_173 = tpu.memref_squeeze %dma_start3A_172 : memref<1x80x128xf32, #tpu.memory_space<hbm>> -> memref<80x128xf32, #tpu.memory_space<hbm>>
    tpu.enqueue_dma source(%arg9 : memref<80x128xf32, #tpu.memory_space<vmem>>) target(%dma_start3A_173 : memref<80x128xf32, #tpu.memory_space<hbm>>) target_semaphore(%arg13 : memref<!tpu.dma_semaphore, #tpu.memory_space<semaphore_mem>>)
    %add3A_174 = arith.constant 16 : i32
    %add3A_175 = arith.addi %arg1, %add3A_174 : i32
    %mul3A_176 = arith.constant 80 : i32
    %mul3A_177 = arith.muli %add3A_175, %mul3A_176 : i32
    "tpu.region"() ({
      %run_scoped3A_310 = tpu.sem_alloc : memref<!tpu.dma_semaphore, #tpu.memory_space<semaphore_mem>>
      %dma_start3A_311 = arith.constant 0 : i32
      %dma_start3A_312 = tpu.memref_slice %arg12[%mul3A_177, %dma_start3A_311] : memref<10000x128xf32, #tpu.memory_space<vmem_shared>> -> memref<80x128xf32, #tpu.memory_space<vmem_shared>>
      %dma_start3A_313 = arith.constant 0 : i32
      %dma_start3A_314 = tpu.memref_slice %arg12[%mul3A_177, %dma_start3A_313] : memref<10000x128xf32, #tpu.memory_space<vmem_shared>> -> memref<80x128xf32, #tpu.memory_space<vmem_shared>>
      tpu.enqueue_dma source(%dma_start3A_314 : memref<80x128xf32, #tpu.memory_space<vmem_shared>>) target(%arg10 : memref<80x128xf32, #tpu.memory_space<vmem>>) target_semaphore(%run_scoped3A_310 : memref<!tpu.dma_semaphore, #tpu.memory_space<semaphore_mem>>)
      %dma_wait3A_315 = arith.constant 0 : i32
      %dma_wait3A_316 = tpu.memref_slice %arg12[%mul3A_177, %dma_wait3A_315] : memref<10000x128xf32, #tpu.memory_space<vmem_shared>> -> memref<80x128xf32, #tpu.memory_space<vmem_shared>>
      %dma_wait3A_317 = arith.constant 0 : i32
      %dma_wait3A_318 = tpu.memref_slice %arg12[%mul3A_177, %dma_wait3A_317] : memref<10000x128xf32, #tpu.memory_space<vmem_shared>> -> memref<80x128xf32, #tpu.memory_space<vmem_shared>>
      tpu.wait_dma2 semaphore(%run_scoped3A_310 : memref<!tpu.dma_semaphore, #tpu.memory_space<semaphore_mem>>) src(%dma_wait3A_318 : memref<80x128xf32, #tpu.memory_space<vmem_shared>>) dst(%arg10 : memref<80x128xf32, #tpu.memory_space<vmem>>)
      tpu.yield
    }) : () -> ()
    %mul3A_178 = arith.constant 80 : i32
    %mul3A_179 = arith.muli %add3A_175, %mul3A_178 : i32
    %dma_start3A_180 = arith.constant 0 : i32
    %dma_start3A_181 = tpu.memref_slice %arg6[%arg0, %mul3A_179, %dma_start3A_180] : memref<2x10000x128xf32, #tpu.memory_space<hbm>> -> memref<1x80x128xf32, #tpu.memory_space<hbm>>
    %dma_start3A_182 = tpu.memref_squeeze %dma_start3A_181 : memref<1x80x128xf32, #tpu.memory_space<hbm>> -> memref<80x128xf32, #tpu.memory_space<hbm>>
    %dma_start3A_183 = arith.constant 0 : i32
    %dma_start3A_184 = tpu.memref_slice %arg6[%arg0, %mul3A_179, %dma_start3A_183] : memref<2x10000x128xf32, #tpu.memory_space<hbm>> -> memref<1x80x128xf32, #tpu.memory_space<hbm>>
    %dma_start3A_185 = tpu.memref_squeeze %dma_start3A_184 : memref<1x80x128xf32, #tpu.memory_space<hbm>> -> memref<80x128xf32, #tpu.memory_space<hbm>>
    tpu.enqueue_dma source(%arg10 : memref<80x128xf32, #tpu.memory_space<vmem>>) target(%dma_start3A_185 : memref<80x128xf32, #tpu.memory_space<hbm>>) target_semaphore(%arg14 : memref<!tpu.dma_semaphore, #tpu.memory_space<semaphore_mem>>)
    %add3A_186 = arith.constant 32 : i32
    %add3A_187 = arith.addi %arg1, %add3A_186 : i32
    %mul3A_188 = arith.constant 80 : i32
    %mul3A_189 = arith.muli %add3A_187, %mul3A_188 : i32
    %dma_wait3A_190 = arith.constant 0 : i32
    %dma_wait3A_191 = tpu.memref_slice %arg6[%arg0, %mul3A_189, %dma_wait3A_190] : memref<2x10000x128xf32, #tpu.memory_space<hbm>> -> memref<1x80x128xf32, #tpu.memory_space<hbm>>
    %dma_wait3A_192 = tpu.memref_squeeze %dma_wait3A_191 : memref<1x80x128xf32, #tpu.memory_space<hbm>> -> memref<80x128xf32, #tpu.memory_space<hbm>>
    %dma_wait3A_193 = arith.constant 0 : i32
    %dma_wait3A_194 = tpu.memref_slice %arg6[%arg0, %mul3A_189, %dma_wait3A_193] : memref<2x10000x128xf32, #tpu.memory_space<hbm>> -> memref<1x80x128xf32, #tpu.memory_space<hbm>>
    %dma_wait3A_195 = tpu.memref_squeeze %dma_wait3A_194 : memref<1x80x128xf32, #tpu.memory_space<hbm>> -> memref<80x128xf32, #tpu.memory_space<hbm>>
    tpu.wait_dma2 semaphore(%arg13 : memref<!tpu.dma_semaphore, #tpu.memory_space<semaphore_mem>>) src(%arg9 : memref<80x128xf32, #tpu.memory_space<vmem>>) dst(%dma_wait3A_195 : memref<80x128xf32, #tpu.memory_space<hbm>>)
    %mul3A_196 = arith.constant 80 : i32
    %mul3A_197 = arith.muli %add3A_187, %mul3A_196 : i32
    "tpu.region"() ({
      %run_scoped3A_310 = tpu.sem_alloc : memref<!tpu.dma_semaphore, #tpu.memory_space<semaphore_mem>>
      %dma_start3A_311 = arith.constant 0 : i32
      %dma_start3A_312 = tpu.memref_slice %arg12[%mul3A_197, %dma_start3A_311] : memref<10000x128xf32, #tpu.memory_space<vmem_shared>> -> memref<80x128xf32, #tpu.memory_space<vmem_shared>>
      %dma_start3A_313 = arith.constant 0 : i32
      %dma_start3A_314 = tpu.memref_slice %arg12[%mul3A_197, %dma_start3A_313] : memref<10000x128xf32, #tpu.memory_space<vmem_shared>> -> memref<80x128xf32, #tpu.memory_space<vmem_shared>>
      tpu.enqueue_dma source(%dma_start3A_314 : memref<80x128xf32, #tpu.memory_space<vmem_shared>>) target(%arg9 : memref<80x128xf32, #tpu.memory_space<vmem>>) target_semaphore(%run_scoped3A_310 : memref<!tpu.dma_semaphore, #tpu.memory_space<semaphore_mem>>)
      %dma_wait3A_315 = arith.constant 0 : i32
      %dma_wait3A_316 = tpu.memref_slice %arg12[%mul3A_197, %dma_wait3A_315] : memref<10000x128xf32, #tpu.memory_space<vmem_shared>> -> memref<80x128xf32, #tpu.memory_space<vmem_shared>>
      %dma_wait3A_317 = arith.constant 0 : i32
      %dma_wait3A_318 = tpu.memref_slice %arg12[%mul3A_197, %dma_wait3A_317] : memref<10000x128xf32, #tpu.memory_space<vmem_shared>> -> memref<80x128xf32, #tpu.memory_space<vmem_shared>>
      tpu.wait_dma2 semaphore(%run_scoped3A_310 : memref<!tpu.dma_semaphore, #tpu.memory_space<semaphore_mem>>) src(%dma_wait3A_318 : memref<80x128xf32, #tpu.memory_space<vmem_shared>>) dst(%arg9 : memref<80x128xf32, #tpu.memory_space<vmem>>)
      tpu.yield
    }) : () -> ()
    %mul3A_198 = arith.constant 80 : i32
    %mul3A_199 = arith.muli %add3A_187, %mul3A_198 : i32
    %dma_start3A_200 = arith.constant 0 : i32
    %dma_start3A_201 = tpu.memref_slice %arg6[%arg0, %mul3A_199, %dma_start3A_200] : memref<2x10000x128xf32, #tpu.memory_space<hbm>> -> memref<1x80x128xf32, #tpu.memory_space<hbm>>
    %dma_start3A_202 = tpu.memref_squeeze %dma_start3A_201 : memref<1x80x128xf32, #tpu.memory_space<hbm>> -> memref<80x128xf32, #tpu.memory_space<hbm>>
    %dma_start3A_203 = arith.constant 0 : i32
    %dma_start3A_204 = tpu.memref_slice %arg6[%arg0, %mul3A_199, %dma_start3A_203] : memref<2x10000x128xf32, #tpu.memory_space<hbm>> -> memref<1x80x128xf32, #tpu.memory_space<hbm>>
    %dma_start3A_205 = tpu.memref_squeeze %dma_start3A_204 : memref<1x80x128xf32, #tpu.memory_space<hbm>> -> memref<80x128xf32, #tpu.memory_space<hbm>>
    tpu.enqueue_dma source(%arg9 : memref<80x128xf32, #tpu.memory_space<vmem>>) target(%dma_start3A_205 : memref<80x128xf32, #tpu.memory_space<hbm>>) target_semaphore(%arg13 : memref<!tpu.dma_semaphore, #tpu.memory_space<semaphore_mem>>)
    %add3A_206 = arith.constant 48 : i32
    %add3A_207 = arith.addi %arg1, %add3A_206 : i32
    %mul3A_208 = arith.constant 80 : i32
    %mul3A_209 = arith.muli %add3A_207, %mul3A_208 : i32
    %dma_wait3A_210 = arith.constant 0 : i32
    %dma_wait3A_211 = tpu.memref_slice %arg6[%arg0, %mul3A_209, %dma_wait3A_210] : memref<2x10000x128xf32, #tpu.memory_space<hbm>> -> memref<1x80x128xf32, #tpu.memory_space<hbm>>
    %dma_wait3A_212 = tpu.memref_squeeze %dma_wait3A_211 : memref<1x80x128xf32, #tpu.memory_space<hbm>> -> memref<80x128xf32, #tpu.memory_space<hbm>>
    %dma_wait3A_213 = arith.constant 0 : i32
    %dma_wait3A_214 = tpu.memref_slice %arg6[%arg0, %mul3A_209, %dma_wait3A_213] : memref<2x10000x128xf32, #tpu.memory_space<hbm>> -> memref<1x80x128xf32, #tpu.memory_space<hbm>>
    %dma_wait3A_215 = tpu.memref_squeeze %dma_wait3A_214 : memref<1x80x128xf32, #tpu.memory_space<hbm>> -> memref<80x128xf32, #tpu.memory_space<hbm>>
    tpu.wait_dma2 semaphore(%arg14 : memref<!tpu.dma_semaphore, #tpu.memory_space<semaphore_mem>>) src(%arg10 : memref<80x128xf32, #tpu.memory_space<vmem>>) dst(%dma_wait3A_215 : memref<80x128xf32, #tpu.memory_space<hbm>>)
    %mul3A_216 = arith.constant 80 : i32
    %mul3A_217 = arith.muli %add3A_207, %mul3A_216 : i32
    "tpu.region"() ({
      %run_scoped3A_310 = tpu.sem_alloc : memref<!tpu.dma_semaphore, #tpu.memory_space<semaphore_mem>>
      %dma_start3A_311 = arith.constant 0 : i32
      %dma_start3A_312 = tpu.memref_slice %arg12[%mul3A_217, %dma_start3A_311] : memref<10000x128xf32, #tpu.memory_space<vmem_shared>> -> memref<80x128xf32, #tpu.memory_space<vmem_shared>>
      %dma_start3A_313 = arith.constant 0 : i32
      %dma_start3A_314 = tpu.memref_slice %arg12[%mul3A_217, %dma_start3A_313] : memref<10000x128xf32, #tpu.memory_space<vmem_shared>> -> memref<80x128xf32, #tpu.memory_space<vmem_shared>>
      tpu.enqueue_dma source(%dma_start3A_314 : memref<80x128xf32, #tpu.memory_space<vmem_shared>>) target(%arg10 : memref<80x128xf32, #tpu.memory_space<vmem>>) target_semaphore(%run_scoped3A_310 : memref<!tpu.dma_semaphore, #tpu.memory_space<semaphore_mem>>)
      %dma_wait3A_315 = arith.constant 0 : i32
      %dma_wait3A_316 = tpu.memref_slice %arg12[%mul3A_217, %dma_wait3A_315] : memref<10000x128xf32, #tpu.memory_space<vmem_shared>> -> memref<80x128xf32, #tpu.memory_space<vmem_shared>>
      %dma_wait3A_317 = arith.constant 0 : i32
      %dma_wait3A_318 = tpu.memref_slice %arg12[%mul3A_217, %dma_wait3A_317] : memref<10000x128xf32, #tpu.memory_space<vmem_shared>> -> memref<80x128xf32, #tpu.memory_space<vmem_shared>>
      tpu.wait_dma2 semaphore(%run_scoped3A_310 : memref<!tpu.dma_semaphore, #tpu.memory_space<semaphore_mem>>) src(%dma_wait3A_318 : memref<80x128xf32, #tpu.memory_space<vmem_shared>>) dst(%arg10 : memref<80x128xf32, #tpu.memory_space<vmem>>)
      tpu.yield
    }) : () -> ()
    %mul3A_218 = arith.constant 80 : i32
    %mul3A_219 = arith.muli %add3A_207, %mul3A_218 : i32
    %dma_start3A_220 = arith.constant 0 : i32
    %dma_start3A_221 = tpu.memref_slice %arg6[%arg0, %mul3A_219, %dma_start3A_220] : memref<2x10000x128xf32, #tpu.memory_space<hbm>> -> memref<1x80x128xf32, #tpu.memory_space<hbm>>
    %dma_start3A_222 = tpu.memref_squeeze %dma_start3A_221 : memref<1x80x128xf32, #tpu.memory_space<hbm>> -> memref<80x128xf32, #tpu.memory_space<hbm>>
    %dma_start3A_223 = arith.constant 0 : i32
    %dma_start3A_224 = tpu.memref_slice %arg6[%arg0, %mul3A_219, %dma_start3A_223] : memref<2x10000x128xf32, #tpu.memory_space<hbm>> -> memref<1x80x128xf32, #tpu.memory_space<hbm>>
    %dma_start3A_225 = tpu.memref_squeeze %dma_start3A_224 : memref<1x80x128xf32, #tpu.memory_space<hbm>> -> memref<80x128xf32, #tpu.memory_space<hbm>>
    tpu.enqueue_dma source(%arg10 : memref<80x128xf32, #tpu.memory_space<vmem>>) target(%dma_start3A_225 : memref<80x128xf32, #tpu.memory_space<hbm>>) target_semaphore(%arg14 : memref<!tpu.dma_semaphore, #tpu.memory_space<semaphore_mem>>)
    %add3A_226 = arith.constant 64 : i32
    %add3A_227 = arith.addi %arg1, %add3A_226 : i32
    %mul3A_228 = arith.constant 80 : i32
    %mul3A_229 = arith.muli %add3A_227, %mul3A_228 : i32
    %dma_wait3A_230 = arith.constant 0 : i32
    %dma_wait3A_231 = tpu.memref_slice %arg6[%arg0, %mul3A_229, %dma_wait3A_230] : memref<2x10000x128xf32, #tpu.memory_space<hbm>> -> memref<1x80x128xf32, #tpu.memory_space<hbm>>
    %dma_wait3A_232 = tpu.memref_squeeze %dma_wait3A_231 : memref<1x80x128xf32, #tpu.memory_space<hbm>> -> memref<80x128xf32, #tpu.memory_space<hbm>>
    %dma_wait3A_233 = arith.constant 0 : i32
    %dma_wait3A_234 = tpu.memref_slice %arg6[%arg0, %mul3A_229, %dma_wait3A_233] : memref<2x10000x128xf32, #tpu.memory_space<hbm>> -> memref<1x80x128xf32, #tpu.memory_space<hbm>>
    %dma_wait3A_235 = tpu.memref_squeeze %dma_wait3A_234 : memref<1x80x128xf32, #tpu.memory_space<hbm>> -> memref<80x128xf32, #tpu.memory_space<hbm>>
    tpu.wait_dma2 semaphore(%arg13 : memref<!tpu.dma_semaphore, #tpu.memory_space<semaphore_mem>>) src(%arg9 : memref<80x128xf32, #tpu.memory_space<vmem>>) dst(%dma_wait3A_235 : memref<80x128xf32, #tpu.memory_space<hbm>>)
    %mul3A_236 = arith.constant 80 : i32
    %mul3A_237 = arith.muli %add3A_227, %mul3A_236 : i32
    "tpu.region"() ({
      %run_scoped3A_310 = tpu.sem_alloc : memref<!tpu.dma_semaphore, #tpu.memory_space<semaphore_mem>>
      %dma_start3A_311 = arith.constant 0 : i32
      %dma_start3A_312 = tpu.memref_slice %arg12[%mul3A_237, %dma_start3A_311] : memref<10000x128xf32, #tpu.memory_space<vmem_shared>> -> memref<80x128xf32, #tpu.memory_space<vmem_shared>>
      %dma_start3A_313 = arith.constant 0 : i32
      %dma_start3A_314 = tpu.memref_slice %arg12[%mul3A_237, %dma_start3A_313] : memref<10000x128xf32, #tpu.memory_space<vmem_shared>> -> memref<80x128xf32, #tpu.memory_space<vmem_shared>>
      tpu.enqueue_dma source(%dma_start3A_314 : memref<80x128xf32, #tpu.memory_space<vmem_shared>>) target(%arg9 : memref<80x128xf32, #tpu.memory_space<vmem>>) target_semaphore(%run_scoped3A_310 : memref<!tpu.dma_semaphore, #tpu.memory_space<semaphore_mem>>)
      %dma_wait3A_315 = arith.constant 0 : i32
      %dma_wait3A_316 = tpu.memref_slice %arg12[%mul3A_237, %dma_wait3A_315] : memref<10000x128xf32, #tpu.memory_space<vmem_shared>> -> memref<80x128xf32, #tpu.memory_space<vmem_shared>>
      %dma_wait3A_317 = arith.constant 0 : i32
      %dma_wait3A_318 = tpu.memref_slice %arg12[%mul3A_237, %dma_wait3A_317] : memref<10000x128xf32, #tpu.memory_space<vmem_shared>> -> memref<80x128xf32, #tpu.memory_space<vmem_shared>>
      tpu.wait_dma2 semaphore(%run_scoped3A_310 : memref<!tpu.dma_semaphore, #tpu.memory_space<semaphore_mem>>) src(%dma_wait3A_318 : memref<80x128xf32, #tpu.memory_space<vmem_shared>>) dst(%arg9 : memref<80x128xf32, #tpu.memory_space<vmem>>)
      tpu.yield
    }) : () -> ()
    %mul3A_238 = arith.constant 80 : i32
    %mul3A_239 = arith.muli %add3A_227, %mul3A_238 : i32
    %dma_start3A_240 = arith.constant 0 : i32
    %dma_start3A_241 = tpu.memref_slice %arg6[%arg0, %mul3A_239, %dma_start3A_240] : memref<2x10000x128xf32, #tpu.memory_space<hbm>> -> memref<1x80x128xf32, #tpu.memory_space<hbm>>
    %dma_start3A_242 = tpu.memref_squeeze %dma_start3A_241 : memref<1x80x128xf32, #tpu.memory_space<hbm>> -> memref<80x128xf32, #tpu.memory_space<hbm>>
    %dma_start3A_243 = arith.constant 0 : i32
    %dma_start3A_244 = tpu.memref_slice %arg6[%arg0, %mul3A_239, %dma_start3A_243] : memref<2x10000x128xf32, #tpu.memory_space<hbm>> -> memref<1x80x128xf32, #tpu.memory_space<hbm>>
    %dma_start3A_245 = tpu.memref_squeeze %dma_start3A_244 : memref<1x80x128xf32, #tpu.memory_space<hbm>> -> memref<80x128xf32, #tpu.memory_space<hbm>>
    tpu.enqueue_dma source(%arg9 : memref<80x128xf32, #tpu.memory_space<vmem>>) target(%dma_start3A_245 : memref<80x128xf32, #tpu.memory_space<hbm>>) target_semaphore(%arg13 : memref<!tpu.dma_semaphore, #tpu.memory_space<semaphore_mem>>)
    %add3A_246 = arith.constant 80 : i32
    %add3A_247 = arith.addi %arg1, %add3A_246 : i32
    %mul3A_248 = arith.constant 80 : i32
    %mul3A_249 = arith.muli %add3A_247, %mul3A_248 : i32
    %dma_wait3A_250 = arith.constant 0 : i32
    %dma_wait3A_251 = tpu.memref_slice %arg6[%arg0, %mul3A_249, %dma_wait3A_250] : memref<2x10000x128xf32, #tpu.memory_space<hbm>> -> memref<1x80x128xf32, #tpu.memory_space<hbm>>
    %dma_wait3A_252 = tpu.memref_squeeze %dma_wait3A_251 : memref<1x80x128xf32, #tpu.memory_space<hbm>> -> memref<80x128xf32, #tpu.memory_space<hbm>>
    %dma_wait3A_253 = arith.constant 0 : i32
    %dma_wait3A_254 = tpu.memref_slice %arg6[%arg0, %mul3A_249, %dma_wait3A_253] : memref<2x10000x128xf32, #tpu.memory_space<hbm>> -> memref<1x80x128xf32, #tpu.memory_space<hbm>>
    %dma_wait3A_255 = tpu.memref_squeeze %dma_wait3A_254 : memref<1x80x128xf32, #tpu.memory_space<hbm>> -> memref<80x128xf32, #tpu.memory_space<hbm>>
    tpu.wait_dma2 semaphore(%arg14 : memref<!tpu.dma_semaphore, #tpu.memory_space<semaphore_mem>>) src(%arg10 : memref<80x128xf32, #tpu.memory_space<vmem>>) dst(%dma_wait3A_255 : memref<80x128xf32, #tpu.memory_space<hbm>>)
    %mul3A_256 = arith.constant 80 : i32
    %mul3A_257 = arith.muli %add3A_247, %mul3A_256 : i32
    "tpu.region"() ({
      %run_scoped3A_310 = tpu.sem_alloc : memref<!tpu.dma_semaphore, #tpu.memory_space<semaphore_mem>>
      %dma_start3A_311 = arith.constant 0 : i32
      %dma_start3A_312 = tpu.memref_slice %arg12[%mul3A_257, %dma_start3A_311] : memref<10000x128xf32, #tpu.memory_space<vmem_shared>> -> memref<80x128xf32, #tpu.memory_space<vmem_shared>>
      %dma_start3A_313 = arith.constant 0 : i32
      %dma_start3A_314 = tpu.memref_slice %arg12[%mul3A_257, %dma_start3A_313] : memref<10000x128xf32, #tpu.memory_space<vmem_shared>> -> memref<80x128xf32, #tpu.memory_space<vmem_shared>>
      tpu.enqueue_dma source(%dma_start3A_314 : memref<80x128xf32, #tpu.memory_space<vmem_shared>>) target(%arg10 : memref<80x128xf32, #tpu.memory_space<vmem>>) target_semaphore(%run_scoped3A_310 : memref<!tpu.dma_semaphore, #tpu.memory_space<semaphore_mem>>)
      %dma_wait3A_315 = arith.constant 0 : i32
      %dma_wait3A_316 = tpu.memref_slice %arg12[%mul3A_257, %dma_wait3A_315] : memref<10000x128xf32, #tpu.memory_space<vmem_shared>> -> memref<80x128xf32, #tpu.memory_space<vmem_shared>>
      %dma_wait3A_317 = arith.constant 0 : i32
      %dma_wait3A_318 = tpu.memref_slice %arg12[%mul3A_257, %dma_wait3A_317] : memref<10000x128xf32, #tpu.memory_space<vmem_shared>> -> memref<80x128xf32, #tpu.memory_space<vmem_shared>>
      tpu.wait_dma2 semaphore(%run_scoped3A_310 : memref<!tpu.dma_semaphore, #tpu.memory_space<semaphore_mem>>) src(%dma_wait3A_318 : memref<80x128xf32, #tpu.memory_space<vmem_shared>>) dst(%arg10 : memref<80x128xf32, #tpu.memory_space<vmem>>)
      tpu.yield
    }) : () -> ()
    %mul3A_258 = arith.constant 80 : i32
    %mul3A_259 = arith.muli %add3A_247, %mul3A_258 : i32
    %dma_start3A_260 = arith.constant 0 : i32
    %dma_start3A_261 = tpu.memref_slice %arg6[%arg0, %mul3A_259, %dma_start3A_260] : memref<2x10000x128xf32, #tpu.memory_space<hbm>> -> memref<1x80x128xf32, #tpu.memory_space<hbm>>
    %dma_start3A_262 = tpu.memref_squeeze %dma_start3A_261 : memref<1x80x128xf32, #tpu.memory_space<hbm>> -> memref<80x128xf32, #tpu.memory_space<hbm>>
    %dma_start3A_263 = arith.constant 0 : i32
    %dma_start3A_264 = tpu.memref_slice %arg6[%arg0, %mul3A_259, %dma_start3A_263] : memref<2x10000x128xf32, #tpu.memory_space<hbm>> -> memref<1x80x128xf32, #tpu.memory_space<hbm>>
    %dma_start3A_265 = tpu.memref_squeeze %dma_start3A_264 : memref<1x80x128xf32, #tpu.memory_space<hbm>> -> memref<80x128xf32, #tpu.memory_space<hbm>>
    tpu.enqueue_dma source(%arg10 : memref<80x128xf32, #tpu.memory_space<vmem>>) target(%dma_start3A_265 : memref<80x128xf32, #tpu.memory_space<hbm>>) target_semaphore(%arg14 : memref<!tpu.dma_semaphore, #tpu.memory_space<semaphore_mem>>)
    %add3A_266 = arith.constant 96 : i32
    %add3A_267 = arith.addi %arg1, %add3A_266 : i32
    %mul3A_268 = arith.constant 80 : i32
    %mul3A_269 = arith.muli %add3A_267, %mul3A_268 : i32
    %dma_wait3A_270 = arith.constant 0 : i32
    %dma_wait3A_271 = tpu.memref_slice %arg6[%arg0, %mul3A_269, %dma_wait3A_270] : memref<2x10000x128xf32, #tpu.memory_space<hbm>> -> memref<1x80x128xf32, #tpu.memory_space<hbm>>
    %dma_wait3A_272 = tpu.memref_squeeze %dma_wait3A_271 : memref<1x80x128xf32, #tpu.memory_space<hbm>> -> memref<80x128xf32, #tpu.memory_space<hbm>>
    %dma_wait3A_273 = arith.constant 0 : i32
    %dma_wait3A_274 = tpu.memref_slice %arg6[%arg0, %mul3A_269, %dma_wait3A_273] : memref<2x10000x128xf32, #tpu.memory_space<hbm>> -> memref<1x80x128xf32, #tpu.memory_space<hbm>>
    %dma_wait3A_275 = tpu.memref_squeeze %dma_wait3A_274 : memref<1x80x128xf32, #tpu.memory_space<hbm>> -> memref<80x128xf32, #tpu.memory_space<hbm>>
    tpu.wait_dma2 semaphore(%arg13 : memref<!tpu.dma_semaphore, #tpu.memory_space<semaphore_mem>>) src(%arg9 : memref<80x128xf32, #tpu.memory_space<vmem>>) dst(%dma_wait3A_275 : memref<80x128xf32, #tpu.memory_space<hbm>>)
    %mul3A_276 = arith.constant 80 : i32
    %mul3A_277 = arith.muli %add3A_267, %mul3A_276 : i32
    "tpu.region"() ({
      %run_scoped3A_310 = tpu.sem_alloc : memref<!tpu.dma_semaphore, #tpu.memory_space<semaphore_mem>>
      %dma_start3A_311 = arith.constant 0 : i32
      %dma_start3A_312 = tpu.memref_slice %arg12[%mul3A_277, %dma_start3A_311] : memref<10000x128xf32, #tpu.memory_space<vmem_shared>> -> memref<80x128xf32, #tpu.memory_space<vmem_shared>>
      %dma_start3A_313 = arith.constant 0 : i32
      %dma_start3A_314 = tpu.memref_slice %arg12[%mul3A_277, %dma_start3A_313] : memref<10000x128xf32, #tpu.memory_space<vmem_shared>> -> memref<80x128xf32, #tpu.memory_space<vmem_shared>>
      tpu.enqueue_dma source(%dma_start3A_314 : memref<80x128xf32, #tpu.memory_space<vmem_shared>>) target(%arg9 : memref<80x128xf32, #tpu.memory_space<vmem>>) target_semaphore(%run_scoped3A_310 : memref<!tpu.dma_semaphore, #tpu.memory_space<semaphore_mem>>)
      %dma_wait3A_315 = arith.constant 0 : i32
      %dma_wait3A_316 = tpu.memref_slice %arg12[%mul3A_277, %dma_wait3A_315] : memref<10000x128xf32, #tpu.memory_space<vmem_shared>> -> memref<80x128xf32, #tpu.memory_space<vmem_shared>>
      %dma_wait3A_317 = arith.constant 0 : i32
      %dma_wait3A_318 = tpu.memref_slice %arg12[%mul3A_277, %dma_wait3A_317] : memref<10000x128xf32, #tpu.memory_space<vmem_shared>> -> memref<80x128xf32, #tpu.memory_space<vmem_shared>>
      tpu.wait_dma2 semaphore(%run_scoped3A_310 : memref<!tpu.dma_semaphore, #tpu.memory_space<semaphore_mem>>) src(%dma_wait3A_318 : memref<80x128xf32, #tpu.memory_space<vmem_shared>>) dst(%arg9 : memref<80x128xf32, #tpu.memory_space<vmem>>)
      tpu.yield
    }) : () -> ()
    %mul3A_278 = arith.constant 80 : i32
    %mul3A_279 = arith.muli %add3A_267, %mul3A_278 : i32
    %dma_start3A_280 = arith.constant 0 : i32
    %dma_start3A_281 = tpu.memref_slice %arg6[%arg0, %mul3A_279, %dma_start3A_280] : memref<2x10000x128xf32, #tpu.memory_space<hbm>> -> memref<1x80x128xf32, #tpu.memory_space<hbm>>
    %dma_start3A_282 = tpu.memref_squeeze %dma_start3A_281 : memref<1x80x128xf32, #tpu.memory_space<hbm>> -> memref<80x128xf32, #tpu.memory_space<hbm>>
    %dma_start3A_283 = arith.constant 0 : i32
    %dma_start3A_284 = tpu.memref_slice %arg6[%arg0, %mul3A_279, %dma_start3A_283] : memref<2x10000x128xf32, #tpu.memory_space<hbm>> -> memref<1x80x128xf32, #tpu.memory_space<hbm>>
    %dma_start3A_285 = tpu.memref_squeeze %dma_start3A_284 : memref<1x80x128xf32, #tpu.memory_space<hbm>> -> memref<80x128xf32, #tpu.memory_space<hbm>>
    tpu.enqueue_dma source(%arg9 : memref<80x128xf32, #tpu.memory_space<vmem>>) target(%dma_start3A_285 : memref<80x128xf32, #tpu.memory_space<hbm>>) target_semaphore(%arg13 : memref<!tpu.dma_semaphore, #tpu.memory_space<semaphore_mem>>)
    %add3A_286 = arith.constant 112 : i32
    %add3A_287 = arith.addi %arg1, %add3A_286 : i32
    %lt3A_288 = arith.constant 125 : i32
    %lt3A_289 = arith.cmpi slt, %add3A_287, %lt3A_288 : i32
    %convert_element_type3A_290 = arith.extui %lt3A_289 : i1 to i32
    %cond3A_291 = arith.constant 0 : i32
    %cond3A_292 = arith.cmpi ne, %convert_element_type3A_290, %cond3A_291 : i32
    scf.if %cond3A_292 {
      %mul3A_310 = arith.constant 80 : i32
      %mul3A_311 = arith.muli %add3A_287, %mul3A_310 : i32
      %dma_wait3A_312 = arith.constant 0 : i32
      %dma_wait3A_313 = tpu.memref_slice %arg6[%arg0, %mul3A_311, %dma_wait3A_312] : memref<2x10000x128xf32, #tpu.memory_space<hbm>> -> memref<1x80x128xf32, #tpu.memory_space<hbm>>
      %dma_wait3A_314 = tpu.memref_squeeze %dma_wait3A_313 : memref<1x80x128xf32, #tpu.memory_space<hbm>> -> memref<80x128xf32, #tpu.memory_space<hbm>>
      %dma_wait3A_315 = arith.constant 0 : i32
      %dma_wait3A_316 = tpu.memref_slice %arg6[%arg0, %mul3A_311, %dma_wait3A_315] : memref<2x10000x128xf32, #tpu.memory_space<hbm>> -> memref<1x80x128xf32, #tpu.memory_space<hbm>>
      %dma_wait3A_317 = tpu.memref_squeeze %dma_wait3A_316 : memref<1x80x128xf32, #tpu.memory_space<hbm>> -> memref<80x128xf32, #tpu.memory_space<hbm>>
      tpu.wait_dma2 semaphore(%arg14 : memref<!tpu.dma_semaphore, #tpu.memory_space<semaphore_mem>>) src(%arg10 : memref<80x128xf32, #tpu.memory_space<vmem>>) dst(%dma_wait3A_317 : memref<80x128xf32, #tpu.memory_space<hbm>>)
      %mul3A_318 = arith.constant 80 : i32
      %mul3A_319 = arith.muli %add3A_287, %mul3A_318 : i32
      "tpu.region"() ({
        %run_scoped3A_328 = tpu.sem_alloc : memref<!tpu.dma_semaphore, #tpu.memory_space<semaphore_mem>>
        %dma_start3A_329 = arith.constant 0 : i32
        %dma_start3A_330 = tpu.memref_slice %arg12[%mul3A_319, %dma_start3A_329] : memref<10000x128xf32, #tpu.memory_space<vmem_shared>> -> memref<80x128xf32, #tpu.memory_space<vmem_shared>>
        %dma_start3A_331 = arith.constant 0 : i32
        %dma_start3A_332 = tpu.memref_slice %arg12[%mul3A_319, %dma_start3A_331] : memref<10000x128xf32, #tpu.memory_space<vmem_shared>> -> memref<80x128xf32, #tpu.memory_space<vmem_shared>>
        tpu.enqueue_dma source(%dma_start3A_332 : memref<80x128xf32, #tpu.memory_space<vmem_shared>>) target(%arg10 : memref<80x128xf32, #tpu.memory_space<vmem>>) target_semaphore(%run_scoped3A_328 : memref<!tpu.dma_semaphore, #tpu.memory_space<semaphore_mem>>)
        %dma_wait3A_333 = arith.constant 0 : i32
        %dma_wait3A_334 = tpu.memref_slice %arg12[%mul3A_319, %dma_wait3A_333] : memref<10000x128xf32, #tpu.memory_space<vmem_shared>> -> memref<80x128xf32, #tpu.memory_space<vmem_shared>>
        %dma_wait3A_335 = arith.constant 0 : i32
        %dma_wait3A_336 = tpu.memref_slice %arg12[%mul3A_319, %dma_wait3A_335] : memref<10000x128xf32, #tpu.memory_space<vmem_shared>> -> memref<80x128xf32, #tpu.memory_space<vmem_shared>>
        tpu.wait_dma2 semaphore(%run_scoped3A_328 : memref<!tpu.dma_semaphore, #tpu.memory_space<semaphore_mem>>) src(%dma_wait3A_336 : memref<80x128xf32, #tpu.memory_space<vmem_shared>>) dst(%arg10 : memref<80x128xf32, #tpu.memory_space<vmem>>)
        tpu.yield
      }) : () -> ()
      %mul3A_320 = arith.constant 80 : i32
      %mul3A_321 = arith.muli %add3A_287, %mul3A_320 : i32
      %dma_start3A_322 = arith.constant 0 : i32
      %dma_start3A_323 = tpu.memref_slice %arg6[%arg0, %mul3A_321, %dma_start3A_322] : memref<2x10000x128xf32, #tpu.memory_space<hbm>> -> memref<1x80x128xf32, #tpu.memory_space<hbm>>
      %dma_start3A_324 = tpu.memref_squeeze %dma_start3A_323 : memref<1x80x128xf32, #tpu.memory_space<hbm>> -> memref<80x128xf32, #tpu.memory_space<hbm>>
      %dma_start3A_325 = arith.constant 0 : i32
      %dma_start3A_326 = tpu.memref_slice %arg6[%arg0, %mul3A_321, %dma_start3A_325] : memref<2x10000x128xf32, #tpu.memory_space<hbm>> -> memref<1x80x128xf32, #tpu.memory_space<hbm>>
      %dma_start3A_327 = tpu.memref_squeeze %dma_start3A_326 : memref<1x80x128xf32, #tpu.memory_space<hbm>> -> memref<80x128xf32, #tpu.memory_space<hbm>>
      tpu.enqueue_dma source(%arg10 : memref<80x128xf32, #tpu.memory_space<vmem>>) target(%dma_start3A_327 : memref<80x128xf32, #tpu.memory_space<hbm>>) target_semaphore(%arg14 : memref<!tpu.dma_semaphore, #tpu.memory_space<semaphore_mem>>)
    } else {
    }
    %add3A_293 = arith.constant 96 : i32
    %add3A_294 = arith.addi %arg1, %add3A_293 : i32
    %mul3A_295 = arith.constant 80 : i32
    %mul3A_296 = arith.muli %add3A_294, %mul3A_295 : i32
    %dma_wait3A_297 = arith.constant 0 : i32
    %dma_wait3A_298 = tpu.memref_slice %arg6[%arg0, %mul3A_296, %dma_wait3A_297] : memref<2x10000x128xf32, #tpu.memory_space<hbm>> -> memref<1x80x128xf32, #tpu.memory_space<hbm>>
    %dma_wait3A_299 = tpu.memref_squeeze %dma_wait3A_298 : memref<1x80x128xf32, #tpu.memory_space<hbm>> -> memref<80x128xf32, #tpu.memory_space<hbm>>
    %dma_wait3A_300 = arith.constant 0 : i32
    %dma_wait3A_301 = tpu.memref_slice %arg6[%arg0, %mul3A_296, %dma_wait3A_300] : memref<2x10000x128xf32, #tpu.memory_space<hbm>> -> memref<1x80x128xf32, #tpu.memory_space<hbm>>
    %dma_wait3A_302 = tpu.memref_squeeze %dma_wait3A_301 : memref<1x80x128xf32, #tpu.memory_space<hbm>> -> memref<80x128xf32, #tpu.memory_space<hbm>>
    tpu.wait_dma2 semaphore(%arg13 : memref<!tpu.dma_semaphore, #tpu.memory_space<semaphore_mem>>) src(%arg9 : memref<80x128xf32, #tpu.memory_space<vmem>>) dst(%dma_wait3A_302 : memref<80x128xf32, #tpu.memory_space<hbm>>)
    %add3A_303 = arith.constant 112 : i32
    %add3A_304 = arith.addi %arg1, %add3A_303 : i32
    %lt3A_305 = arith.constant 125 : i32
    %lt3A_306 = arith.cmpi slt, %add3A_304, %lt3A_305 : i32
    %convert_element_type3A_307 = arith.extui %lt3A_306 : i1 to i32
    %cond3A_308 = arith.constant 0 : i32
    %cond3A_309 = arith.cmpi ne, %convert_element_type3A_307, %cond3A_308 : i32
    scf.if %cond3A_309 {
      %mul3A_310 = arith.constant 80 : i32
      %mul3A_311 = arith.muli %add3A_304, %mul3A_310 : i32
      %dma_wait3A_312 = arith.constant 0 : i32
      %dma_wait3A_313 = tpu.memref_slice %arg6[%arg0, %mul3A_311, %dma_wait3A_312] : memref<2x10000x128xf32, #tpu.memory_space<hbm>> -> memref<1x80x128xf32, #tpu.memory_space<hbm>>
      %dma_wait3A_314 = tpu.memref_squeeze %dma_wait3A_313 : memref<1x80x128xf32, #tpu.memory_space<hbm>> -> memref<80x128xf32, #tpu.memory_space<hbm>>
      %dma_wait3A_315 = arith.constant 0 : i32
      %dma_wait3A_316 = tpu.memref_slice %arg6[%arg0, %mul3A_311, %dma_wait3A_315] : memref<2x10000x128xf32, #tpu.memory_space<hbm>> -> memref<1x80x128xf32, #tpu.memory_space<hbm>>
      %dma_wait3A_317 = tpu.memref_squeeze %dma_wait3A_316 : memref<1x80x128xf32, #tpu.memory_space<hbm>> -> memref<80x128xf32, #tpu.memory_space<hbm>>
      tpu.wait_dma2 semaphore(%arg14 : memref<!tpu.dma_semaphore, #tpu.memory_space<semaphore_mem>>) src(%arg10 : memref<80x128xf32, #tpu.memory_space<vmem>>) dst(%dma_wait3A_317 : memref<80x128xf32, #tpu.memory_space<hbm>>)
    } else {
    }
    "tpu.region"() ({
      %run_scoped3A_310 = tpu.sem_alloc : memref<!tpu.dma_semaphore, #tpu.memory_space<semaphore_mem>>
      %dma_start3A_311 = arith.constant 0 : i32
      %dma_start3A_312 = tpu.memref_slice %arg7[%add3A, %dma_start3A_311] : memref<32x10000xf32, #tpu.memory_space<hbm>> -> memref<1x10000xf32, #tpu.memory_space<hbm>>
      %dma_start3A_313 = tpu.memref_squeeze %dma_start3A_312 : memref<1x10000xf32, #tpu.memory_space<hbm>> -> memref<10000xf32, #tpu.memory_space<hbm>>
      %dma_start3A_314 = arith.constant 0 : i32
      %dma_start3A_315 = tpu.memref_slice %arg7[%add3A, %dma_start3A_314] : memref<32x10000xf32, #tpu.memory_space<hbm>> -> memref<1x10000xf32, #tpu.memory_space<hbm>>
      %dma_start3A_316 = tpu.memref_squeeze %dma_start3A_315 : memref<1x10000xf32, #tpu.memory_space<hbm>> -> memref<10000xf32, #tpu.memory_space<hbm>>
      tpu.enqueue_dma source(%arg11 : memref<10000xf32, #tpu.memory_space<vmem>>) target(%dma_start3A_316 : memref<10000xf32, #tpu.memory_space<hbm>>) target_semaphore(%run_scoped3A_310 : memref<!tpu.dma_semaphore, #tpu.memory_space<semaphore_mem>>)
      %dma_wait3A_317 = arith.constant 0 : i32
      %dma_wait3A_318 = tpu.memref_slice %arg7[%add3A, %dma_wait3A_317] : memref<32x10000xf32, #tpu.memory_space<hbm>> -> memref<1x10000xf32, #tpu.memory_space<hbm>>
      %dma_wait3A_319 = tpu.memref_squeeze %dma_wait3A_318 : memref<1x10000xf32, #tpu.memory_space<hbm>> -> memref<10000xf32, #tpu.memory_space<hbm>>
      %dma_wait3A_320 = arith.constant 0 : i32
      %dma_wait3A_321 = tpu.memref_slice %arg7[%add3A, %dma_wait3A_320] : memref<32x10000xf32, #tpu.memory_space<hbm>> -> memref<1x10000xf32, #tpu.memory_space<hbm>>
      %dma_wait3A_322 = tpu.memref_squeeze %dma_wait3A_321 : memref<1x10000xf32, #tpu.memory_space<hbm>> -> memref<10000xf32, #tpu.memory_space<hbm>>
      tpu.wait_dma2 semaphore(%run_scoped3A_310 : memref<!tpu.dma_semaphore, #tpu.memory_space<semaphore_mem>>) src(%arg11 : memref<10000xf32, #tpu.memory_space<vmem>>) dst(%dma_wait3A_322 : memref<10000xf32, #tpu.memory_space<hbm>>)
      tpu.yield
    }) : () -> ()
    return
  }
}

module attributes {stable_mosaic.version = 14 : i64} {
  func.func @_dense_body(%arg0: memref<10000x128xf32, #tpu.memory_space<vmem>>, %arg1: memref<10000x128xf32, #tpu.memory_space<vmem>>, %arg2: memref<10000x128xf32, #tpu.memory_space<vmem>>, %arg3: memref<32x10000xf32, #tpu.memory_space<vmem>>, %arg4: memref<1x64xi32, #tpu.memory_space<vmem>>, %arg5: memref<256x256xf32, #tpu.memory_space<vmem>>, %arg6: memref<1x256xf32, #tpu.memory_space<vmem>>, %arg7: memref<256x128xf32, #tpu.memory_space<vmem>>, %arg8: memref<1x128xf32, #tpu.memory_space<vmem>>, %arg9: memref<1x128xf32, #tpu.memory_space<vmem>>, %arg10: memref<1x128xf32, #tpu.memory_space<vmem>>, %arg11: memref<256x256xf32, #tpu.memory_space<vmem>>, %arg12: memref<1x256xf32, #tpu.memory_space<vmem>>, %arg13: memref<256x128xf32, #tpu.memory_space<vmem>>, %arg14: memref<1x128xf32, #tpu.memory_space<vmem>>, %arg15: memref<1x128xf32, #tpu.memory_space<vmem>>, %arg16: memref<1x128xf32, #tpu.memory_space<vmem>>, %arg17: memref<256x256xf32, #tpu.memory_space<vmem>>, %arg18: memref<1x256xf32, #tpu.memory_space<vmem>>, %arg19: memref<256x128xf32, #tpu.memory_space<vmem>>, %arg20: memref<1x128xf32, #tpu.memory_space<vmem>>, %arg21: memref<1x128xf32, #tpu.memory_space<vmem>>, %arg22: memref<1x128xf32, #tpu.memory_space<vmem>>, %arg23: memref<128x128xf32, #tpu.memory_space<vmem>>, %arg24: memref<1x128xf32, #tpu.memory_space<vmem>>, %arg25: memref<1x128xf32, #tpu.memory_space<vmem>>, %arg26: memref<1x128xf32, #tpu.memory_space<vmem>>, %arg27: memref<128x1xf32, #tpu.memory_space<vmem>>, %arg28: memref<1x1xf32, #tpu.memory_space<vmem>>, %arg29: memref<64x128xf32, #tpu.memory_space<vmem>>, %arg30: memref<1x128xf32, #tpu.memory_space<vmem>>, %arg31: memref<1x128xf32, #tpu.memory_space<vmem>>, %arg32: memref<1x128xf32, #tpu.memory_space<vmem>>, %arg33: memref<128x64xf32, #tpu.memory_space<vmem>>, %arg34: memref<1x64xf32, #tpu.memory_space<vmem>>, %arg35: memref<1x64xf32, #tpu.memory_space<vmem>>, %arg36: memref<1x64xf32, #tpu.memory_space<vmem>>, %arg37: memref<64x2xf32, #tpu.memory_space<vmem>>, %arg38: memref<1x2xf32, #tpu.memory_space<vmem>>, %arg39: memref<10x2xf32, #tpu.memory_space<vmem>>) attributes {dimension_semantics = [], scalar_prefetch = 0 : i64, scratch_operands = 0 : i64, tpu.core_type = #tpu.core_type<tc>} {
    %get3A = arith.constant 0 : index
    %get3A_0 = arith.constant 0 : index
    %get3A_1 = vector.load %arg5[%get3A, %get3A_0] : memref<256x256xf32, #tpu.memory_space<vmem>>, vector<256x256xf32>
    %get3A_2 = arith.constant 0 : index
    %get3A_3 = arith.constant 0 : index
    %get3A_4 = vector.load %arg6[%get3A_2, %get3A_3] : memref<1x256xf32, #tpu.memory_space<vmem>>, vector<1x256xf32>
    %get3A_5 = arith.constant 0 : index
    %get3A_6 = arith.constant 0 : index
    %get3A_7 = vector.load %arg7[%get3A_5, %get3A_6] : memref<256x128xf32, #tpu.memory_space<vmem>>, vector<256x128xf32>
    %get3A_8 = arith.constant 0 : index
    %get3A_9 = arith.constant 0 : index
    %get3A_10 = vector.load %arg8[%get3A_8, %get3A_9] : memref<1x128xf32, #tpu.memory_space<vmem>>, vector<1x128xf32>
    %get3A_11 = arith.constant 0 : index
    %get3A_12 = arith.constant 0 : index
    %get3A_13 = vector.load %arg9[%get3A_11, %get3A_12] : memref<1x128xf32, #tpu.memory_space<vmem>>, vector<1x128xf32>
    %get3A_14 = arith.constant 0 : index
    %get3A_15 = arith.constant 0 : index
    %get3A_16 = vector.load %arg10[%get3A_14, %get3A_15] : memref<1x128xf32, #tpu.memory_space<vmem>>, vector<1x128xf32>
    %get3A_17 = arith.constant 0 : index
    %get3A_18 = arith.constant 0 : index
    %get3A_19 = vector.load %arg11[%get3A_17, %get3A_18] : memref<256x256xf32, #tpu.memory_space<vmem>>, vector<256x256xf32>
    %get3A_20 = arith.constant 0 : index
    %get3A_21 = arith.constant 0 : index
    %get3A_22 = vector.load %arg12[%get3A_20, %get3A_21] : memref<1x256xf32, #tpu.memory_space<vmem>>, vector<1x256xf32>
    %get3A_23 = arith.constant 0 : index
    %get3A_24 = arith.constant 0 : index
    %get3A_25 = vector.load %arg13[%get3A_23, %get3A_24] : memref<256x128xf32, #tpu.memory_space<vmem>>, vector<256x128xf32>
    %get3A_26 = arith.constant 0 : index
    %get3A_27 = arith.constant 0 : index
    %get3A_28 = vector.load %arg14[%get3A_26, %get3A_27] : memref<1x128xf32, #tpu.memory_space<vmem>>, vector<1x128xf32>
    %get3A_29 = arith.constant 0 : index
    %get3A_30 = arith.constant 0 : index
    %get3A_31 = vector.load %arg15[%get3A_29, %get3A_30] : memref<1x128xf32, #tpu.memory_space<vmem>>, vector<1x128xf32>
    %get3A_32 = arith.constant 0 : index
    %get3A_33 = arith.constant 0 : index
    %get3A_34 = vector.load %arg16[%get3A_32, %get3A_33] : memref<1x128xf32, #tpu.memory_space<vmem>>, vector<1x128xf32>
    %get3A_35 = arith.constant 0 : index
    %get3A_36 = arith.constant 0 : index
    %get3A_37 = vector.load %arg17[%get3A_35, %get3A_36] : memref<256x256xf32, #tpu.memory_space<vmem>>, vector<256x256xf32>
    %get3A_38 = arith.constant 0 : index
    %get3A_39 = arith.constant 0 : index
    %get3A_40 = vector.load %arg18[%get3A_38, %get3A_39] : memref<1x256xf32, #tpu.memory_space<vmem>>, vector<1x256xf32>
    %get3A_41 = arith.constant 0 : index
    %get3A_42 = arith.constant 0 : index
    %get3A_43 = vector.load %arg19[%get3A_41, %get3A_42] : memref<256x128xf32, #tpu.memory_space<vmem>>, vector<256x128xf32>
    %get3A_44 = arith.constant 0 : index
    %get3A_45 = arith.constant 0 : index
    %get3A_46 = vector.load %arg20[%get3A_44, %get3A_45] : memref<1x128xf32, #tpu.memory_space<vmem>>, vector<1x128xf32>
    %get3A_47 = arith.constant 0 : index
    %get3A_48 = arith.constant 0 : index
    %get3A_49 = vector.load %arg21[%get3A_47, %get3A_48] : memref<1x128xf32, #tpu.memory_space<vmem>>, vector<1x128xf32>
    %get3A_50 = arith.constant 0 : index
    %get3A_51 = arith.constant 0 : index
    %get3A_52 = vector.load %arg22[%get3A_50, %get3A_51] : memref<1x128xf32, #tpu.memory_space<vmem>>, vector<1x128xf32>
    %get3A_53 = arith.constant 0 : index
    %get3A_54 = arith.constant 0 : index
    %get3A_55 = vector.load %arg23[%get3A_53, %get3A_54] : memref<128x128xf32, #tpu.memory_space<vmem>>, vector<128x128xf32>
    %get3A_56 = arith.constant 0 : index
    %get3A_57 = arith.constant 0 : index
    %get3A_58 = vector.load %arg24[%get3A_56, %get3A_57] : memref<1x128xf32, #tpu.memory_space<vmem>>, vector<1x128xf32>
    %get3A_59 = arith.constant 0 : index
    %get3A_60 = arith.constant 0 : index
    %get3A_61 = vector.load %arg25[%get3A_59, %get3A_60] : memref<1x128xf32, #tpu.memory_space<vmem>>, vector<1x128xf32>
    %get3A_62 = arith.constant 0 : index
    %get3A_63 = arith.constant 0 : index
    %get3A_64 = vector.load %arg26[%get3A_62, %get3A_63] : memref<1x128xf32, #tpu.memory_space<vmem>>, vector<1x128xf32>
    %get3A_65 = arith.constant 0 : index
    %get3A_66 = arith.constant 0 : index
    %get3A_67 = vector.load %arg27[%get3A_65, %get3A_66] : memref<128x1xf32, #tpu.memory_space<vmem>>, vector<128x1xf32>
    %get3A_68 = arith.constant 0 : index
    %get3A_69 = arith.constant 0 : index
    %get3A_70 = vector.load %arg28[%get3A_68, %get3A_69] : memref<1x1xf32, #tpu.memory_space<vmem>>, vector<1x1xf32>
    %get3A_71 = arith.constant 0 : index
    %get3A_72 = arith.constant 0 : index
    %get3A_73 = vector.load %arg29[%get3A_71, %get3A_72] : memref<64x128xf32, #tpu.memory_space<vmem>>, vector<64x128xf32>
    %get3A_74 = arith.constant 0 : index
    %get3A_75 = arith.constant 0 : index
    %get3A_76 = vector.load %arg30[%get3A_74, %get3A_75] : memref<1x128xf32, #tpu.memory_space<vmem>>, vector<1x128xf32>
    %get3A_77 = arith.constant 0 : index
    %get3A_78 = arith.constant 0 : index
    %get3A_79 = vector.load %arg31[%get3A_77, %get3A_78] : memref<1x128xf32, #tpu.memory_space<vmem>>, vector<1x128xf32>
    %get3A_80 = arith.constant 0 : index
    %get3A_81 = arith.constant 0 : index
    %get3A_82 = vector.load %arg32[%get3A_80, %get3A_81] : memref<1x128xf32, #tpu.memory_space<vmem>>, vector<1x128xf32>
    %get3A_83 = arith.constant 0 : index
    %get3A_84 = arith.constant 0 : index
    %get3A_85 = vector.load %arg33[%get3A_83, %get3A_84] : memref<128x64xf32, #tpu.memory_space<vmem>>, vector<128x64xf32>
    %get3A_86 = arith.constant 0 : index
    %get3A_87 = arith.constant 0 : index
    %get3A_88 = vector.load %arg34[%get3A_86, %get3A_87] : memref<1x64xf32, #tpu.memory_space<vmem>>, vector<1x64xf32>
    %get3A_89 = arith.constant 0 : index
    %get3A_90 = arith.constant 0 : index
    %get3A_91 = vector.load %arg35[%get3A_89, %get3A_90] : memref<1x64xf32, #tpu.memory_space<vmem>>, vector<1x64xf32>
    %get3A_92 = arith.constant 0 : index
    %get3A_93 = arith.constant 0 : index
    %get3A_94 = vector.load %arg36[%get3A_92, %get3A_93] : memref<1x64xf32, #tpu.memory_space<vmem>>, vector<1x64xf32>
    %get3A_95 = arith.constant 0 : index
    %get3A_96 = arith.constant 0 : index
    %get3A_97 = vector.load %arg37[%get3A_95, %get3A_96] : memref<64x2xf32, #tpu.memory_space<vmem>>, vector<64x2xf32>
    %get3A_98 = arith.constant 0 : index
    %get3A_99 = arith.constant 0 : index
    %get3A_100 = vector.load %arg38[%get3A_98, %get3A_99] : memref<1x2xf32, #tpu.memory_space<vmem>>, vector<1x2xf32>
    %slice3A = vector.extract_strided_slice %get3A_1 {offsets = [0, 0], sizes = [128, 256], strides = [1, 1]} : vector<256x256xf32> to vector<128x256xf32>
    %slice3A_101 = vector.extract_strided_slice %get3A_1 {offsets = [128, 0], sizes = [128, 256], strides = [1, 1]} : vector<256x256xf32> to vector<128x256xf32>
    %slice3A_102 = vector.extract_strided_slice %get3A_19 {offsets = [0, 0], sizes = [128, 256], strides = [1, 1]} : vector<256x256xf32> to vector<128x256xf32>
    %slice3A_103 = vector.extract_strided_slice %get3A_19 {offsets = [128, 0], sizes = [128, 256], strides = [1, 1]} : vector<256x256xf32> to vector<128x256xf32>
    %slice3A_104 = vector.extract_strided_slice %get3A_37 {offsets = [0, 0], sizes = [128, 256], strides = [1, 1]} : vector<256x256xf32> to vector<128x256xf32>
    %slice3A_105 = vector.extract_strided_slice %get3A_37 {offsets = [128, 0], sizes = [128, 256], strides = [1, 1]} : vector<256x256xf32> to vector<128x256xf32>
    %get3A_106 = arith.constant 0 : index
    %get3A_107 = arith.constant 0 : index
    %get3A_108 = vector.load %arg3[%get3A_106, %get3A_107] : memref<32x10000xf32, #tpu.memory_space<vmem>>, vector<32x10000xf32>
    %broadcast_in_dim3A = arith.constant 1.000000e+00 : f32
    %broadcast_in_dim3A_109 = vector.broadcast %broadcast_in_dim3A : f32 to vector<32x1xf32>
    %dot_general3A = arith.constant dense<0.000000e+00> : vector<10000x1xf32>
    %dot_general3A_110 = tpu.matmul %get3A_108, %broadcast_in_dim3A_109, %dot_general3A {dimension_numbers = #tpu.dot_dimension_numbers<[0], [0], [1], [1], [0, 1, 1, 1], [], []>, transpose_lhs_hint = false} : vector<32x10000xf32>, vector<32x1xf32>, vector<10000x1xf32> -> vector<10000x1xf32>
    %max3A = arith.constant 1.000000e+00 : f32
    %max3A_111 = vector.broadcast %max3A : f32 to vector<10000x1xf32>
    %max3A_112 = arith.maximumf %dot_general3A_110, %max3A_111 : vector<10000x1xf32>
    %get3A_113 = arith.constant 0 : index
    %get3A_114 = arith.constant 0 : index
    %get3A_115 = vector.load %arg1[%get3A_113, %get3A_114] : memref<10000x128xf32, #tpu.memory_space<vmem>>, vector<10000x128xf32>
    %get3A_116 = arith.constant 0 : index
    %get3A_117 = arith.constant 0 : index
    %get3A_118 = vector.load %arg2[%get3A_116, %get3A_117] : memref<10000x128xf32, #tpu.memory_space<vmem>>, vector<10000x128xf32>
    %add3A = arith.addf %get3A_115, %get3A_118 : vector<10000x128xf32>
    %div3A = vector.broadcast %max3A_112 : vector<10000x1xf32> to vector<10000x128xf32>
    %div3A_119 = arith.divf %add3A, %div3A : vector<10000x128xf32>
    %get3A_120 = arith.constant 0 : index
    %get3A_121 = arith.constant 0 : index
    %get3A_122 = vector.load %arg0[%get3A_120, %get3A_121] : memref<10000x128xf32, #tpu.memory_space<vmem>>, vector<10000x128xf32>
    %mul3A = arith.mulf %get3A_122, %div3A_119 : vector<10000x128xf32>
    %dot_general3A_123 = arith.constant dense<0.000000e+00> : vector<10000x256xf32>
    %dot_general3A_124 = tpu.matmul %get3A_122, %slice3A, %dot_general3A_123 {dimension_numbers = #tpu.dot_dimension_numbers<[1], [0], [0], [1], [0, 0, 1, 1], [], []>, transpose_lhs_hint = false} : vector<10000x128xf32>, vector<128x256xf32>, vector<10000x256xf32> -> vector<10000x256xf32>
    %dot_general3A_125 = arith.constant dense<0.000000e+00> : vector<10000x256xf32>
    %dot_general3A_126 = tpu.matmul %mul3A, %slice3A_101, %dot_general3A_125 {dimension_numbers = #tpu.dot_dimension_numbers<[1], [0], [0], [1], [0, 0, 1, 1], [], []>, transpose_lhs_hint = false} : vector<10000x128xf32>, vector<128x256xf32>, vector<10000x256xf32> -> vector<10000x256xf32>
    %add3A_127 = arith.addf %dot_general3A_124, %dot_general3A_126 : vector<10000x256xf32>
    %add3A_128 = vector.broadcast %get3A_4 : vector<1x256xf32> to vector<10000x256xf32>
    %add3A_129 = arith.addf %add3A_127, %add3A_128 : vector<10000x256xf32>
    %ge3A = arith.constant 0.000000e+00 : f32
    %ge3A_130 = vector.broadcast %ge3A : f32 to vector<10000x256xf32>
    %ge3A_131 = arith.cmpf oge, %add3A_129, %ge3A_130 : vector<10000x256xf32>
    %mul3A_132 = arith.constant 0.00999999977 : f32
    %mul3A_133 = vector.broadcast %mul3A_132 : f32 to vector<10000x256xf32>
    %mul3A_134 = arith.mulf %mul3A_133, %add3A_129 : vector<10000x256xf32>
    %select_n3A = arith.select %ge3A_131, %add3A_129, %mul3A_134 : vector<10000x256xi1>, vector<10000x256xf32>
    %dot_general3A_135 = arith.constant dense<0.000000e+00> : vector<10000x128xf32>
    %dot_general3A_136 = tpu.matmul %select_n3A, %get3A_7, %dot_general3A_135 {dimension_numbers = #tpu.dot_dimension_numbers<[1], [0], [0], [1], [0, 0, 1, 1], [], []>, transpose_lhs_hint = false} : vector<10000x256xf32>, vector<256x128xf32>, vector<10000x128xf32> -> vector<10000x128xf32>
    %add3A_137 = vector.broadcast %get3A_10 : vector<1x128xf32> to vector<10000x128xf32>
    %add3A_138 = arith.addf %dot_general3A_136, %add3A_137 : vector<10000x128xf32>
    %reduce_sum3A = arith.constant dense<0.000000e+00> : vector<10000xf32>
    %reduce_sum3A_139 = vector.multi_reduction <add>, %add3A_138, %reduce_sum3A [1] : vector<10000x128xf32> to vector<10000xf32>
    %broadcast_in_dim3A_140 = vector.shape_cast %reduce_sum3A_139 : vector<10000xf32> to vector<10000x1xf32>
    %div3A_141 = arith.constant 1.280000e+02 : f32
    %div3A_142 = vector.broadcast %div3A_141 : f32 to vector<10000x1xf32>
    %div3A_143 = arith.divf %broadcast_in_dim3A_140, %div3A_142 : vector<10000x1xf32>
    %sub3A = vector.broadcast %div3A_143 : vector<10000x1xf32> to vector<10000x128xf32>
    %sub3A_144 = arith.subf %add3A_138, %sub3A : vector<10000x128xf32>
    %sub3A_145 = vector.broadcast %div3A_143 : vector<10000x1xf32> to vector<10000x128xf32>
    %sub3A_146 = arith.subf %add3A_138, %sub3A_145 : vector<10000x128xf32>
    %mul3A_147 = arith.mulf %sub3A_144, %sub3A_146 : vector<10000x128xf32>
    %reduce_sum3A_148 = arith.constant dense<0.000000e+00> : vector<10000xf32>
    %reduce_sum3A_149 = vector.multi_reduction <add>, %mul3A_147, %reduce_sum3A_148 [1] : vector<10000x128xf32> to vector<10000xf32>
    %broadcast_in_dim3A_150 = vector.shape_cast %reduce_sum3A_149 : vector<10000xf32> to vector<10000x1xf32>
    %div3A_151 = arith.constant 1.280000e+02 : f32
    %div3A_152 = vector.broadcast %div3A_151 : f32 to vector<10000x1xf32>
    %div3A_153 = arith.divf %broadcast_in_dim3A_150, %div3A_152 : vector<10000x1xf32>
    %sub3A_154 = vector.broadcast %div3A_143 : vector<10000x1xf32> to vector<10000x128xf32>
    %sub3A_155 = arith.subf %add3A_138, %sub3A_154 : vector<10000x128xf32>
    %add3A_156 = arith.constant 9.99999974E-6 : f32
    %add3A_157 = vector.broadcast %add3A_156 : f32 to vector<10000x1xf32>
    %add3A_158 = arith.addf %div3A_153, %add3A_157 : vector<10000x1xf32>
    %rsqrt3A = math.rsqrt %add3A_158 : vector<10000x1xf32>
    %mul3A_159 = vector.broadcast %rsqrt3A : vector<10000x1xf32> to vector<10000x128xf32>
    %mul3A_160 = arith.mulf %sub3A_155, %mul3A_159 : vector<10000x128xf32>
    %mul3A_161 = vector.broadcast %get3A_13 : vector<1x128xf32> to vector<10000x128xf32>
    %mul3A_162 = arith.mulf %mul3A_160, %mul3A_161 : vector<10000x128xf32>
    %add3A_163 = vector.broadcast %get3A_16 : vector<1x128xf32> to vector<10000x128xf32>
    %add3A_164 = arith.addf %mul3A_162, %add3A_163 : vector<10000x128xf32>
    %mul3A_165 = arith.mulf %add3A_164, %div3A_119 : vector<10000x128xf32>
    %dot_general3A_166 = arith.constant dense<0.000000e+00> : vector<10000x256xf32>
    %dot_general3A_167 = tpu.matmul %add3A_164, %slice3A_102, %dot_general3A_166 {dimension_numbers = #tpu.dot_dimension_numbers<[1], [0], [0], [1], [0, 0, 1, 1], [], []>, transpose_lhs_hint = false} : vector<10000x128xf32>, vector<128x256xf32>, vector<10000x256xf32> -> vector<10000x256xf32>
    %dot_general3A_168 = arith.constant dense<0.000000e+00> : vector<10000x256xf32>
    %dot_general3A_169 = tpu.matmul %mul3A_165, %slice3A_103, %dot_general3A_168 {dimension_numbers = #tpu.dot_dimension_numbers<[1], [0], [0], [1], [0, 0, 1, 1], [], []>, transpose_lhs_hint = false} : vector<10000x128xf32>, vector<128x256xf32>, vector<10000x256xf32> -> vector<10000x256xf32>
    %add3A_170 = arith.addf %dot_general3A_167, %dot_general3A_169 : vector<10000x256xf32>
    %add3A_171 = vector.broadcast %get3A_22 : vector<1x256xf32> to vector<10000x256xf32>
    %add3A_172 = arith.addf %add3A_170, %add3A_171 : vector<10000x256xf32>
    %ge3A_173 = arith.constant 0.000000e+00 : f32
    %ge3A_174 = vector.broadcast %ge3A_173 : f32 to vector<10000x256xf32>
    %ge3A_175 = arith.cmpf oge, %add3A_172, %ge3A_174 : vector<10000x256xf32>
    %mul3A_176 = arith.constant 0.00999999977 : f32
    %mul3A_177 = vector.broadcast %mul3A_176 : f32 to vector<10000x256xf32>
    %mul3A_178 = arith.mulf %mul3A_177, %add3A_172 : vector<10000x256xf32>
    %select_n3A_179 = arith.select %ge3A_175, %add3A_172, %mul3A_178 : vector<10000x256xi1>, vector<10000x256xf32>
    %dot_general3A_180 = arith.constant dense<0.000000e+00> : vector<10000x128xf32>
    %dot_general3A_181 = tpu.matmul %select_n3A_179, %get3A_25, %dot_general3A_180 {dimension_numbers = #tpu.dot_dimension_numbers<[1], [0], [0], [1], [0, 0, 1, 1], [], []>, transpose_lhs_hint = false} : vector<10000x256xf32>, vector<256x128xf32>, vector<10000x128xf32> -> vector<10000x128xf32>
    %add3A_182 = vector.broadcast %get3A_28 : vector<1x128xf32> to vector<10000x128xf32>
    %add3A_183 = arith.addf %dot_general3A_181, %add3A_182 : vector<10000x128xf32>
    %reduce_sum3A_184 = arith.constant dense<0.000000e+00> : vector<10000xf32>
    %reduce_sum3A_185 = vector.multi_reduction <add>, %add3A_183, %reduce_sum3A_184 [1] : vector<10000x128xf32> to vector<10000xf32>
    %broadcast_in_dim3A_186 = vector.shape_cast %reduce_sum3A_185 : vector<10000xf32> to vector<10000x1xf32>
    %div3A_187 = arith.constant 1.280000e+02 : f32
    %div3A_188 = vector.broadcast %div3A_187 : f32 to vector<10000x1xf32>
    %div3A_189 = arith.divf %broadcast_in_dim3A_186, %div3A_188 : vector<10000x1xf32>
    %sub3A_190 = vector.broadcast %div3A_189 : vector<10000x1xf32> to vector<10000x128xf32>
    %sub3A_191 = arith.subf %add3A_183, %sub3A_190 : vector<10000x128xf32>
    %sub3A_192 = vector.broadcast %div3A_189 : vector<10000x1xf32> to vector<10000x128xf32>
    %sub3A_193 = arith.subf %add3A_183, %sub3A_192 : vector<10000x128xf32>
    %mul3A_194 = arith.mulf %sub3A_191, %sub3A_193 : vector<10000x128xf32>
    %reduce_sum3A_195 = arith.constant dense<0.000000e+00> : vector<10000xf32>
    %reduce_sum3A_196 = vector.multi_reduction <add>, %mul3A_194, %reduce_sum3A_195 [1] : vector<10000x128xf32> to vector<10000xf32>
    %broadcast_in_dim3A_197 = vector.shape_cast %reduce_sum3A_196 : vector<10000xf32> to vector<10000x1xf32>
    %div3A_198 = arith.constant 1.280000e+02 : f32
    %div3A_199 = vector.broadcast %div3A_198 : f32 to vector<10000x1xf32>
    %div3A_200 = arith.divf %broadcast_in_dim3A_197, %div3A_199 : vector<10000x1xf32>
    %sub3A_201 = vector.broadcast %div3A_189 : vector<10000x1xf32> to vector<10000x128xf32>
    %sub3A_202 = arith.subf %add3A_183, %sub3A_201 : vector<10000x128xf32>
    %add3A_203 = arith.constant 9.99999974E-6 : f32
    %add3A_204 = vector.broadcast %add3A_203 : f32 to vector<10000x1xf32>
    %add3A_205 = arith.addf %div3A_200, %add3A_204 : vector<10000x1xf32>
    %rsqrt3A_206 = math.rsqrt %add3A_205 : vector<10000x1xf32>
    %mul3A_207 = vector.broadcast %rsqrt3A_206 : vector<10000x1xf32> to vector<10000x128xf32>
    %mul3A_208 = arith.mulf %sub3A_202, %mul3A_207 : vector<10000x128xf32>
    %mul3A_209 = vector.broadcast %get3A_31 : vector<1x128xf32> to vector<10000x128xf32>
    %mul3A_210 = arith.mulf %mul3A_208, %mul3A_209 : vector<10000x128xf32>
    %add3A_211 = vector.broadcast %get3A_34 : vector<1x128xf32> to vector<10000x128xf32>
    %add3A_212 = arith.addf %mul3A_210, %add3A_211 : vector<10000x128xf32>
    %mul3A_213 = arith.mulf %add3A_212, %div3A_119 : vector<10000x128xf32>
    %dot_general3A_214 = arith.constant dense<0.000000e+00> : vector<10000x256xf32>
    %dot_general3A_215 = tpu.matmul %add3A_212, %slice3A_104, %dot_general3A_214 {dimension_numbers = #tpu.dot_dimension_numbers<[1], [0], [0], [1], [0, 0, 1, 1], [], []>, transpose_lhs_hint = false} : vector<10000x128xf32>, vector<128x256xf32>, vector<10000x256xf32> -> vector<10000x256xf32>
    %dot_general3A_216 = arith.constant dense<0.000000e+00> : vector<10000x256xf32>
    %dot_general3A_217 = tpu.matmul %mul3A_213, %slice3A_105, %dot_general3A_216 {dimension_numbers = #tpu.dot_dimension_numbers<[1], [0], [0], [1], [0, 0, 1, 1], [], []>, transpose_lhs_hint = false} : vector<10000x128xf32>, vector<128x256xf32>, vector<10000x256xf32> -> vector<10000x256xf32>
    %add3A_218 = arith.addf %dot_general3A_215, %dot_general3A_217 : vector<10000x256xf32>
    %add3A_219 = vector.broadcast %get3A_40 : vector<1x256xf32> to vector<10000x256xf32>
    %add3A_220 = arith.addf %add3A_218, %add3A_219 : vector<10000x256xf32>
    %ge3A_221 = arith.constant 0.000000e+00 : f32
    %ge3A_222 = vector.broadcast %ge3A_221 : f32 to vector<10000x256xf32>
    %ge3A_223 = arith.cmpf oge, %add3A_220, %ge3A_222 : vector<10000x256xf32>
    %mul3A_224 = arith.constant 0.00999999977 : f32
    %mul3A_225 = vector.broadcast %mul3A_224 : f32 to vector<10000x256xf32>
    %mul3A_226 = arith.mulf %mul3A_225, %add3A_220 : vector<10000x256xf32>
    %select_n3A_227 = arith.select %ge3A_223, %add3A_220, %mul3A_226 : vector<10000x256xi1>, vector<10000x256xf32>
    %dot_general3A_228 = arith.constant dense<0.000000e+00> : vector<10000x128xf32>
    %dot_general3A_229 = tpu.matmul %select_n3A_227, %get3A_43, %dot_general3A_228 {dimension_numbers = #tpu.dot_dimension_numbers<[1], [0], [0], [1], [0, 0, 1, 1], [], []>, transpose_lhs_hint = false} : vector<10000x256xf32>, vector<256x128xf32>, vector<10000x128xf32> -> vector<10000x128xf32>
    %add3A_230 = vector.broadcast %get3A_46 : vector<1x128xf32> to vector<10000x128xf32>
    %add3A_231 = arith.addf %dot_general3A_229, %add3A_230 : vector<10000x128xf32>
    %reduce_sum3A_232 = arith.constant dense<0.000000e+00> : vector<10000xf32>
    %reduce_sum3A_233 = vector.multi_reduction <add>, %add3A_231, %reduce_sum3A_232 [1] : vector<10000x128xf32> to vector<10000xf32>
    %broadcast_in_dim3A_234 = vector.shape_cast %reduce_sum3A_233 : vector<10000xf32> to vector<10000x1xf32>
    %div3A_235 = arith.constant 1.280000e+02 : f32
    %div3A_236 = vector.broadcast %div3A_235 : f32 to vector<10000x1xf32>
    %div3A_237 = arith.divf %broadcast_in_dim3A_234, %div3A_236 : vector<10000x1xf32>
    %sub3A_238 = vector.broadcast %div3A_237 : vector<10000x1xf32> to vector<10000x128xf32>
    %sub3A_239 = arith.subf %add3A_231, %sub3A_238 : vector<10000x128xf32>
    %sub3A_240 = vector.broadcast %div3A_237 : vector<10000x1xf32> to vector<10000x128xf32>
    %sub3A_241 = arith.subf %add3A_231, %sub3A_240 : vector<10000x128xf32>
    %mul3A_242 = arith.mulf %sub3A_239, %sub3A_241 : vector<10000x128xf32>
    %reduce_sum3A_243 = arith.constant dense<0.000000e+00> : vector<10000xf32>
    %reduce_sum3A_244 = vector.multi_reduction <add>, %mul3A_242, %reduce_sum3A_243 [1] : vector<10000x128xf32> to vector<10000xf32>
    %broadcast_in_dim3A_245 = vector.shape_cast %reduce_sum3A_244 : vector<10000xf32> to vector<10000x1xf32>
    %div3A_246 = arith.constant 1.280000e+02 : f32
    %div3A_247 = vector.broadcast %div3A_246 : f32 to vector<10000x1xf32>
    %div3A_248 = arith.divf %broadcast_in_dim3A_245, %div3A_247 : vector<10000x1xf32>
    %sub3A_249 = vector.broadcast %div3A_237 : vector<10000x1xf32> to vector<10000x128xf32>
    %sub3A_250 = arith.subf %add3A_231, %sub3A_249 : vector<10000x128xf32>
    %add3A_251 = arith.constant 9.99999974E-6 : f32
    %add3A_252 = vector.broadcast %add3A_251 : f32 to vector<10000x1xf32>
    %add3A_253 = arith.addf %div3A_248, %add3A_252 : vector<10000x1xf32>
    %rsqrt3A_254 = math.rsqrt %add3A_253 : vector<10000x1xf32>
    %mul3A_255 = vector.broadcast %rsqrt3A_254 : vector<10000x1xf32> to vector<10000x128xf32>
    %mul3A_256 = arith.mulf %sub3A_250, %mul3A_255 : vector<10000x128xf32>
    %mul3A_257 = vector.broadcast %get3A_49 : vector<1x128xf32> to vector<10000x128xf32>
    %mul3A_258 = arith.mulf %mul3A_256, %mul3A_257 : vector<10000x128xf32>
    %add3A_259 = vector.broadcast %get3A_52 : vector<1x128xf32> to vector<10000x128xf32>
    %add3A_260 = arith.addf %mul3A_258, %add3A_259 : vector<10000x128xf32>
    %dot_general3A_261 = arith.constant dense<0.000000e+00> : vector<10000x128xf32>
    %dot_general3A_262 = tpu.matmul %add3A_260, %get3A_55, %dot_general3A_261 {dimension_numbers = #tpu.dot_dimension_numbers<[1], [0], [0], [1], [0, 0, 1, 1], [], []>, transpose_lhs_hint = false} : vector<10000x128xf32>, vector<128x128xf32>, vector<10000x128xf32> -> vector<10000x128xf32>
    %add3A_263 = vector.broadcast %get3A_58 : vector<1x128xf32> to vector<10000x128xf32>
    %add3A_264 = arith.addf %dot_general3A_262, %add3A_263 : vector<10000x128xf32>
    %reduce_sum3A_265 = arith.constant dense<0.000000e+00> : vector<128xf32>
    %reduce_sum3A_266 = vector.multi_reduction <add>, %add3A_264, %reduce_sum3A_265 [0] : vector<10000x128xf32> to vector<128xf32>
    %broadcast_in_dim3A_267 = vector.shape_cast %reduce_sum3A_266 : vector<128xf32> to vector<1x128xf32>
    %div3A_268 = arith.constant 1.000000e+04 : f32
    %div3A_269 = vector.broadcast %div3A_268 : f32 to vector<1x128xf32>
    %div3A_270 = arith.divf %broadcast_in_dim3A_267, %div3A_269 : vector<1x128xf32>
    %sub3A_271 = vector.broadcast %div3A_270 : vector<1x128xf32> to vector<10000x128xf32>
    %sub3A_272 = arith.subf %add3A_264, %sub3A_271 : vector<10000x128xf32>
    %sub3A_273 = vector.broadcast %div3A_270 : vector<1x128xf32> to vector<10000x128xf32>
    %sub3A_274 = arith.subf %add3A_264, %sub3A_273 : vector<10000x128xf32>
    %mul3A_275 = arith.mulf %sub3A_272, %sub3A_274 : vector<10000x128xf32>
    %reduce_sum3A_276 = arith.constant dense<0.000000e+00> : vector<128xf32>
    %reduce_sum3A_277 = vector.multi_reduction <add>, %mul3A_275, %reduce_sum3A_276 [0] : vector<10000x128xf32> to vector<128xf32>
    %broadcast_in_dim3A_278 = vector.shape_cast %reduce_sum3A_277 : vector<128xf32> to vector<1x128xf32>
    %div3A_279 = arith.constant 1.000000e+04 : f32
    %div3A_280 = vector.broadcast %div3A_279 : f32 to vector<1x128xf32>
    %div3A_281 = arith.divf %broadcast_in_dim3A_278, %div3A_280 : vector<1x128xf32>
    %sub3A_282 = vector.broadcast %div3A_270 : vector<1x128xf32> to vector<10000x128xf32>
    %sub3A_283 = arith.subf %add3A_264, %sub3A_282 : vector<10000x128xf32>
    %add3A_284 = arith.constant 9.99999974E-6 : f32
    %add3A_285 = vector.broadcast %add3A_284 : f32 to vector<1x128xf32>
    %add3A_286 = arith.addf %div3A_281, %add3A_285 : vector<1x128xf32>
    %rsqrt3A_287 = math.rsqrt %add3A_286 : vector<1x128xf32>
    %mul3A_288 = vector.broadcast %rsqrt3A_287 : vector<1x128xf32> to vector<10000x128xf32>
    %mul3A_289 = arith.mulf %sub3A_283, %mul3A_288 : vector<10000x128xf32>
    %mul3A_290 = vector.broadcast %get3A_61 : vector<1x128xf32> to vector<10000x128xf32>
    %mul3A_291 = arith.mulf %mul3A_289, %mul3A_290 : vector<10000x128xf32>
    %add3A_292 = vector.broadcast %get3A_64 : vector<1x128xf32> to vector<10000x128xf32>
    %add3A_293 = arith.addf %mul3A_291, %add3A_292 : vector<10000x128xf32>
    %ge3A_294 = arith.constant 0.000000e+00 : f32
    %ge3A_295 = vector.broadcast %ge3A_294 : f32 to vector<10000x128xf32>
    %ge3A_296 = arith.cmpf oge, %add3A_293, %ge3A_295 : vector<10000x128xf32>
    %mul3A_297 = arith.constant 0.00999999977 : f32
    %mul3A_298 = vector.broadcast %mul3A_297 : f32 to vector<10000x128xf32>
    %mul3A_299 = arith.mulf %mul3A_298, %add3A_293 : vector<10000x128xf32>
    %select_n3A_300 = arith.select %ge3A_296, %add3A_293, %mul3A_299 : vector<10000x128xi1>, vector<10000x128xf32>
    %dot_general3A_301 = arith.constant dense<0.000000e+00> : vector<10000x1xf32>
    %dot_general3A_302 = tpu.matmul %select_n3A_300, %get3A_67, %dot_general3A_301 {dimension_numbers = #tpu.dot_dimension_numbers<[1], [0], [0], [1], [0, 0, 1, 1], [], []>, transpose_lhs_hint = false} : vector<10000x128xf32>, vector<128x1xf32>, vector<10000x1xf32> -> vector<10000x1xf32>
    %add3A_303 = vector.broadcast %get3A_70 : vector<1x1xf32> to vector<10000x1xf32>
    %add3A_304 = arith.addf %dot_general3A_302, %add3A_303 : vector<10000x1xf32>
    %get3A_305 = arith.constant 0 : index
    %get3A_306 = arith.constant 0 : index
    %get3A_307 = vector.load %arg4[%get3A_305, %get3A_306] : memref<1x64xi32, #tpu.memory_space<vmem>>, vector<1x64xi32>
    %iota3A = tpu.iota {dimensions = array<i32: 0>} : vector<10000x64xi32>
    %broadcast_in_dim3A_308 = arith.constant false
    %broadcast_in_dim3A_309 = vector.broadcast %broadcast_in_dim3A_308 : i1 to vector<10000x64xi1>
    %add3A_310 = arith.constant 0 : i32
    %add3A_311 = vector.broadcast %add3A_310 : i32 to vector<1x64xi32>
    %add3A_312 = arith.addi %get3A_307, %add3A_311 : vector<1x64xi32>
    %eq3A = vector.broadcast %add3A_312 : vector<1x64xi32> to vector<10000x64xi32>
    %eq3A_313 = arith.cmpi eq, %iota3A, %eq3A : vector<10000x64xi32>
    %or3A = arith.ori %broadcast_in_dim3A_309, %eq3A_313 : vector<10000x64xi1>
    %add3A_314 = arith.constant 1000 : i32
    %add3A_315 = vector.broadcast %add3A_314 : i32 to vector<1x64xi32>
    %add3A_316 = arith.addi %get3A_307, %add3A_315 : vector<1x64xi32>
    %eq3A_317 = vector.broadcast %add3A_316 : vector<1x64xi32> to vector<10000x64xi32>
    %eq3A_318 = arith.cmpi eq, %iota3A, %eq3A_317 : vector<10000x64xi32>
    %or3A_319 = arith.ori %or3A, %eq3A_318 : vector<10000x64xi1>
    %add3A_320 = arith.constant 2000 : i32
    %add3A_321 = vector.broadcast %add3A_320 : i32 to vector<1x64xi32>
    %add3A_322 = arith.addi %get3A_307, %add3A_321 : vector<1x64xi32>
    %eq3A_323 = vector.broadcast %add3A_322 : vector<1x64xi32> to vector<10000x64xi32>
    %eq3A_324 = arith.cmpi eq, %iota3A, %eq3A_323 : vector<10000x64xi32>
    %or3A_325 = arith.ori %or3A_319, %eq3A_324 : vector<10000x64xi1>
    %add3A_326 = arith.constant 3000 : i32
    %add3A_327 = vector.broadcast %add3A_326 : i32 to vector<1x64xi32>
    %add3A_328 = arith.addi %get3A_307, %add3A_327 : vector<1x64xi32>
    %eq3A_329 = vector.broadcast %add3A_328 : vector<1x64xi32> to vector<10000x64xi32>
    %eq3A_330 = arith.cmpi eq, %iota3A, %eq3A_329 : vector<10000x64xi32>
    %or3A_331 = arith.ori %or3A_325, %eq3A_330 : vector<10000x64xi1>
    %add3A_332 = arith.constant 4000 : i32
    %add3A_333 = vector.broadcast %add3A_332 : i32 to vector<1x64xi32>
    %add3A_334 = arith.addi %get3A_307, %add3A_333 : vector<1x64xi32>
    %eq3A_335 = vector.broadcast %add3A_334 : vector<1x64xi32> to vector<10000x64xi32>
    %eq3A_336 = arith.cmpi eq, %iota3A, %eq3A_335 : vector<10000x64xi32>
    %or3A_337 = arith.ori %or3A_331, %eq3A_336 : vector<10000x64xi1>
    %add3A_338 = arith.constant 5000 : i32
    %add3A_339 = vector.broadcast %add3A_338 : i32 to vector<1x64xi32>
    %add3A_340 = arith.addi %get3A_307, %add3A_339 : vector<1x64xi32>
    %eq3A_341 = vector.broadcast %add3A_340 : vector<1x64xi32> to vector<10000x64xi32>
    %eq3A_342 = arith.cmpi eq, %iota3A, %eq3A_341 : vector<10000x64xi32>
    %or3A_343 = arith.ori %or3A_337, %eq3A_342 : vector<10000x64xi1>
    %add3A_344 = arith.constant 6000 : i32
    %add3A_345 = vector.broadcast %add3A_344 : i32 to vector<1x64xi32>
    %add3A_346 = arith.addi %get3A_307, %add3A_345 : vector<1x64xi32>
    %eq3A_347 = vector.broadcast %add3A_346 : vector<1x64xi32> to vector<10000x64xi32>
    %eq3A_348 = arith.cmpi eq, %iota3A, %eq3A_347 : vector<10000x64xi32>
    %or3A_349 = arith.ori %or3A_343, %eq3A_348 : vector<10000x64xi1>
    %add3A_350 = arith.constant 7000 : i32
    %add3A_351 = vector.broadcast %add3A_350 : i32 to vector<1x64xi32>
    %add3A_352 = arith.addi %get3A_307, %add3A_351 : vector<1x64xi32>
    %eq3A_353 = vector.broadcast %add3A_352 : vector<1x64xi32> to vector<10000x64xi32>
    %eq3A_354 = arith.cmpi eq, %iota3A, %eq3A_353 : vector<10000x64xi32>
    %or3A_355 = arith.ori %or3A_349, %eq3A_354 : vector<10000x64xi1>
    %add3A_356 = arith.constant 8000 : i32
    %add3A_357 = vector.broadcast %add3A_356 : i32 to vector<1x64xi32>
    %add3A_358 = arith.addi %get3A_307, %add3A_357 : vector<1x64xi32>
    %eq3A_359 = vector.broadcast %add3A_358 : vector<1x64xi32> to vector<10000x64xi32>
    %eq3A_360 = arith.cmpi eq, %iota3A, %eq3A_359 : vector<10000x64xi32>
    %or3A_361 = arith.ori %or3A_355, %eq3A_360 : vector<10000x64xi1>
    %add3A_362 = arith.constant 9000 : i32
    %add3A_363 = vector.broadcast %add3A_362 : i32 to vector<1x64xi32>
    %add3A_364 = arith.addi %get3A_307, %add3A_363 : vector<1x64xi32>
    %eq3A_365 = vector.broadcast %add3A_364 : vector<1x64xi32> to vector<10000x64xi32>
    %eq3A_366 = arith.cmpi eq, %iota3A, %eq3A_365 : vector<10000x64xi32>
    %or3A_367 = arith.ori %or3A_361, %eq3A_366 : vector<10000x64xi1>
    %convert_element_type3A = arith.extui %or3A_367 : vector<10000x64xi1> to vector<10000x64xi32>
    %convert_element_type3A_368 = arith.sitofp %convert_element_type3A : vector<10000x64xi32> to vector<10000x64xf32>
    %mul3A_369 = vector.broadcast %add3A_304 : vector<10000x1xf32> to vector<10000x64xf32>
    %mul3A_370 = arith.mulf %mul3A_369, %convert_element_type3A_368 : vector<10000x64xf32>
    %iota3A_371 = tpu.iota {dimensions = array<i32: 0>} : vector<10x10000xi32>
    %iota3A_372 = tpu.iota {dimensions = array<i32: 1>} : vector<10x10000xi32>
    %mul3A_373 = arith.constant 1000 : i32
    %mul3A_374 = vector.broadcast %mul3A_373 : i32 to vector<10x10000xi32>
    %mul3A_375 = arith.muli %iota3A_371, %mul3A_374 : vector<10x10000xi32>
    %sub3A_376 = arith.subi %iota3A_372, %mul3A_375 : vector<10x10000xi32>
    %ge3A_377 = arith.constant 0 : i32
    %ge3A_378 = vector.broadcast %ge3A_377 : i32 to vector<10x10000xi32>
    %ge3A_379 = arith.cmpi sge, %sub3A_376, %ge3A_378 : vector<10x10000xi32>
    %lt3A = arith.constant 1000 : i32
    %lt3A_380 = vector.broadcast %lt3A : i32 to vector<10x10000xi32>
    %lt3A_381 = arith.cmpi slt, %sub3A_376, %lt3A_380 : vector<10x10000xi32>
    %and3A = arith.andi %ge3A_379, %lt3A_381 : vector<10x10000xi1>
    %convert_element_type3A_382 = arith.extui %and3A : vector<10x10000xi1> to vector<10x10000xi32>
    %convert_element_type3A_383 = arith.sitofp %convert_element_type3A_382 : vector<10x10000xi32> to vector<10x10000xf32>
    %dot_general3A_384 = arith.constant dense<0.000000e+00> : vector<10x64xf32>
    %dot_general3A_385 = tpu.matmul %convert_element_type3A_383, %mul3A_370, %dot_general3A_384 {dimension_numbers = #tpu.dot_dimension_numbers<[1], [0], [0], [1], [0, 0, 1, 1], [], []>, transpose_lhs_hint = false} : vector<10x10000xf32>, vector<10000x64xf32>, vector<10x64xf32> -> vector<10x64xf32>
    %dot_general3A_386 = arith.constant dense<0.000000e+00> : vector<10x128xf32>
    %dot_general3A_387 = tpu.matmul %dot_general3A_385, %get3A_73, %dot_general3A_386 {dimension_numbers = #tpu.dot_dimension_numbers<[1], [0], [0], [1], [0, 0, 1, 1], [], []>, transpose_lhs_hint = false} : vector<10x64xf32>, vector<64x128xf32>, vector<10x128xf32> -> vector<10x128xf32>
    %add3A_388 = vector.broadcast %get3A_76 : vector<1x128xf32> to vector<10x128xf32>
    %add3A_389 = arith.addf %dot_general3A_387, %add3A_388 : vector<10x128xf32>
    %reduce_sum3A_390 = arith.constant dense<0.000000e+00> : vector<128xf32>
    %reduce_sum3A_391 = vector.multi_reduction <add>, %add3A_389, %reduce_sum3A_390 [0] : vector<10x128xf32> to vector<128xf32>
    %broadcast_in_dim3A_392 = vector.shape_cast %reduce_sum3A_391 : vector<128xf32> to vector<1x128xf32>
    %div3A_393 = arith.constant 1.000000e+01 : f32
    %div3A_394 = vector.broadcast %div3A_393 : f32 to vector<1x128xf32>
    %div3A_395 = arith.divf %broadcast_in_dim3A_392, %div3A_394 : vector<1x128xf32>
    %sub3A_396 = vector.broadcast %div3A_395 : vector<1x128xf32> to vector<10x128xf32>
    %sub3A_397 = arith.subf %add3A_389, %sub3A_396 : vector<10x128xf32>
    %sub3A_398 = vector.broadcast %div3A_395 : vector<1x128xf32> to vector<10x128xf32>
    %sub3A_399 = arith.subf %add3A_389, %sub3A_398 : vector<10x128xf32>
    %mul3A_400 = arith.mulf %sub3A_397, %sub3A_399 : vector<10x128xf32>
    %reduce_sum3A_401 = arith.constant dense<0.000000e+00> : vector<128xf32>
    %reduce_sum3A_402 = vector.multi_reduction <add>, %mul3A_400, %reduce_sum3A_401 [0] : vector<10x128xf32> to vector<128xf32>
    %broadcast_in_dim3A_403 = vector.shape_cast %reduce_sum3A_402 : vector<128xf32> to vector<1x128xf32>
    %div3A_404 = arith.constant 1.000000e+01 : f32
    %div3A_405 = vector.broadcast %div3A_404 : f32 to vector<1x128xf32>
    %div3A_406 = arith.divf %broadcast_in_dim3A_403, %div3A_405 : vector<1x128xf32>
    %sub3A_407 = vector.broadcast %div3A_395 : vector<1x128xf32> to vector<10x128xf32>
    %sub3A_408 = arith.subf %add3A_389, %sub3A_407 : vector<10x128xf32>
    %add3A_409 = arith.constant 9.99999974E-6 : f32
    %add3A_410 = vector.broadcast %add3A_409 : f32 to vector<1x128xf32>
    %add3A_411 = arith.addf %div3A_406, %add3A_410 : vector<1x128xf32>
    %rsqrt3A_412 = math.rsqrt %add3A_411 : vector<1x128xf32>
    %mul3A_413 = vector.broadcast %rsqrt3A_412 : vector<1x128xf32> to vector<10x128xf32>
    %mul3A_414 = arith.mulf %sub3A_408, %mul3A_413 : vector<10x128xf32>
    %mul3A_415 = vector.broadcast %get3A_79 : vector<1x128xf32> to vector<10x128xf32>
    %mul3A_416 = arith.mulf %mul3A_414, %mul3A_415 : vector<10x128xf32>
    %add3A_417 = vector.broadcast %get3A_82 : vector<1x128xf32> to vector<10x128xf32>
    %add3A_418 = arith.addf %mul3A_416, %add3A_417 : vector<10x128xf32>
    %ge3A_419 = arith.constant 0.000000e+00 : f32
    %ge3A_420 = vector.broadcast %ge3A_419 : f32 to vector<10x128xf32>
    %ge3A_421 = arith.cmpf oge, %add3A_418, %ge3A_420 : vector<10x128xf32>
    %mul3A_422 = arith.constant 0.00999999977 : f32
    %mul3A_423 = vector.broadcast %mul3A_422 : f32 to vector<10x128xf32>
    %mul3A_424 = arith.mulf %mul3A_423, %add3A_418 : vector<10x128xf32>
    %select_n3A_425 = arith.select %ge3A_421, %add3A_418, %mul3A_424 : vector<10x128xi1>, vector<10x128xf32>
    %dot_general3A_426 = arith.constant dense<0.000000e+00> : vector<10x64xf32>
    %dot_general3A_427 = tpu.matmul %select_n3A_425, %get3A_85, %dot_general3A_426 {dimension_numbers = #tpu.dot_dimension_numbers<[1], [0], [0], [1], [0, 0, 1, 1], [], []>, transpose_lhs_hint = false} : vector<10x128xf32>, vector<128x64xf32>, vector<10x64xf32> -> vector<10x64xf32>
    %add3A_428 = vector.broadcast %get3A_88 : vector<1x64xf32> to vector<10x64xf32>
    %add3A_429 = arith.addf %dot_general3A_427, %add3A_428 : vector<10x64xf32>
    %reduce_sum3A_430 = arith.constant dense<0.000000e+00> : vector<64xf32>
    %reduce_sum3A_431 = vector.multi_reduction <add>, %add3A_429, %reduce_sum3A_430 [0] : vector<10x64xf32> to vector<64xf32>
    %broadcast_in_dim3A_432 = vector.shape_cast %reduce_sum3A_431 : vector<64xf32> to vector<1x64xf32>
    %div3A_433 = arith.constant 1.000000e+01 : f32
    %div3A_434 = vector.broadcast %div3A_433 : f32 to vector<1x64xf32>
    %div3A_435 = arith.divf %broadcast_in_dim3A_432, %div3A_434 : vector<1x64xf32>
    %sub3A_436 = vector.broadcast %div3A_435 : vector<1x64xf32> to vector<10x64xf32>
    %sub3A_437 = arith.subf %add3A_429, %sub3A_436 : vector<10x64xf32>
    %sub3A_438 = vector.broadcast %div3A_435 : vector<1x64xf32> to vector<10x64xf32>
    %sub3A_439 = arith.subf %add3A_429, %sub3A_438 : vector<10x64xf32>
    %mul3A_440 = arith.mulf %sub3A_437, %sub3A_439 : vector<10x64xf32>
    %reduce_sum3A_441 = arith.constant dense<0.000000e+00> : vector<64xf32>
    %reduce_sum3A_442 = vector.multi_reduction <add>, %mul3A_440, %reduce_sum3A_441 [0] : vector<10x64xf32> to vector<64xf32>
    %broadcast_in_dim3A_443 = vector.shape_cast %reduce_sum3A_442 : vector<64xf32> to vector<1x64xf32>
    %div3A_444 = arith.constant 1.000000e+01 : f32
    %div3A_445 = vector.broadcast %div3A_444 : f32 to vector<1x64xf32>
    %div3A_446 = arith.divf %broadcast_in_dim3A_443, %div3A_445 : vector<1x64xf32>
    %sub3A_447 = vector.broadcast %div3A_435 : vector<1x64xf32> to vector<10x64xf32>
    %sub3A_448 = arith.subf %add3A_429, %sub3A_447 : vector<10x64xf32>
    %add3A_449 = arith.constant 9.99999974E-6 : f32
    %add3A_450 = vector.broadcast %add3A_449 : f32 to vector<1x64xf32>
    %add3A_451 = arith.addf %div3A_446, %add3A_450 : vector<1x64xf32>
    %rsqrt3A_452 = math.rsqrt %add3A_451 : vector<1x64xf32>
    %mul3A_453 = vector.broadcast %rsqrt3A_452 : vector<1x64xf32> to vector<10x64xf32>
    %mul3A_454 = arith.mulf %sub3A_448, %mul3A_453 : vector<10x64xf32>
    %mul3A_455 = vector.broadcast %get3A_91 : vector<1x64xf32> to vector<10x64xf32>
    %mul3A_456 = arith.mulf %mul3A_454, %mul3A_455 : vector<10x64xf32>
    %add3A_457 = vector.broadcast %get3A_94 : vector<1x64xf32> to vector<10x64xf32>
    %add3A_458 = arith.addf %mul3A_456, %add3A_457 : vector<10x64xf32>
    %ge3A_459 = arith.constant 0.000000e+00 : f32
    %ge3A_460 = vector.broadcast %ge3A_459 : f32 to vector<10x64xf32>
    %ge3A_461 = arith.cmpf oge, %add3A_458, %ge3A_460 : vector<10x64xf32>
    %mul3A_462 = arith.constant 0.00999999977 : f32
    %mul3A_463 = vector.broadcast %mul3A_462 : f32 to vector<10x64xf32>
    %mul3A_464 = arith.mulf %mul3A_463, %add3A_458 : vector<10x64xf32>
    %select_n3A_465 = arith.select %ge3A_461, %add3A_458, %mul3A_464 : vector<10x64xi1>, vector<10x64xf32>
    %dot_general3A_466 = arith.constant dense<0.000000e+00> : vector<10x2xf32>
    %dot_general3A_467 = tpu.matmul %select_n3A_465, %get3A_97, %dot_general3A_466 {dimension_numbers = #tpu.dot_dimension_numbers<[1], [0], [0], [1], [0, 0, 1, 1], [], []>, transpose_lhs_hint = false} : vector<10x64xf32>, vector<64x2xf32>, vector<10x2xf32> -> vector<10x2xf32>
    %add3A_468 = vector.broadcast %get3A_100 : vector<1x2xf32> to vector<10x2xf32>
    %add3A_469 = arith.addf %dot_general3A_467, %add3A_468 : vector<10x2xf32>
    %swap3A = arith.constant 0 : index
    %swap3A_470 = arith.constant 0 : index
    %swap3A_471 = vector.load %arg39[%swap3A, %swap3A_470] : memref<10x2xf32, #tpu.memory_space<vmem>>, vector<10x2xf32>
    tpu.vector_store %arg39[%swap3A, %swap3A_470], %add3A_469 {strides = array<i32>} : memref<10x2xf32, #tpu.memory_space<vmem>>, vector<10x2xf32>,
    return
  }
}

</mosaic_0001>

<sc_bundles>
// kernel: kernel.4.cloned.1.call-start
scs
__scs_entry_jumppad:
0x0: {  	(pc) =	sbr.rel $0x88, $3  }
0x1: {  	(tag) =	ssettag $0x0;
	lr =	simm.s32 $0x1  }
0x2: {  	[smem:$0x3F7B] =	sst lr;
	_ =	strace $0xD0000000  }
0x3: {  	_ = 	snop  }
0x4: {  	_ = 	snop  }
0x5: {  	_ = 	snop  }
0x6: {  	_ = 	snop  }
0x7: {  	_ = 	snop  }
__scs_overlays_trampoline_lowered:
0x8: {  	[smem:$0x3F8A] =	sst s0  }
0x9: {  	[smem:$0x3F8B] =	sst s1  }
0xa: {  	[smem:$0x3F8C] =	sst s2  }
0xb: {  	[smem:$0x3F8D] =	sst s3  }
0xc: {  	[smem:$0x3F8E] =	sst s4  }
0xd: {  	[smem:$0x3F8F] =	sst s5  }
0xe: {  	[smem:$0x3F90] =	sst s6  }
0xf: {  	[smem:$0x3F91] =	sst s7  }
0x10: {  	[smem:$0x3F92] =	sst s8  }
0x11: {  	[smem:$0x3F93] =	sst s9;
	s0 =	simm.s32 @!p0 $0x0  }
0x12: {  	s1 =	sld [smem:$0x3F79];
	s0 =	simm.s32 @p0 $0x1  }
0x13: {  	[smem:$0x3F94] =	sst s0;
	s0 =	simm.s32 @!p1 $0x0  }
0x14: {  	s2 =	sld [smem:$0x3F78];
	s0 =	simm.s32 @p1 $0x1  }
0x15: {  	[smem:$0x3F95] =	sst s0;
	s0 =	simm.s32 @!p2 $0x0  }
0x16: {  	s3 =	sld [smem:$0x3FDB];
	s0 =	simm.s32 @p2 $0x1  }
0x17: {  	s4 =	simm.s32 $0x1BF5;
	[smem:$0x3F97] =	sst s0  }
0x18: {  	s0 =	sld [smem:$0x3F7A];
	_ =	swait.ge [sflag:s4], $0x0  }
0x19: {  	s7 =	sld [smem:$0x3F7B]  }
0x1a: {  	s8 =	sadd.s32 $0xFFFFE003, lr  }
0x1b: {  	s9 =	sadd.s32 $0xFFFFFEF7, lr;
	s5 =	simm.s32 $0xFFFFFFFF;
	p2 =	slt.u32 s8, $0xFFFFF086  }
0x1c: {  	p1 =	slt.u32 s9, $0xF7A;
	s5 =	simm.s32 @!p2 $0x0  }
0x1d: {  	s5 =	simm.s32 @p1 $0x1;
	p0 =	seq.s32 s7, s2  }
0x1e: {  	s7 =	smul.u32 @!p0 $0xF7A, s2;
	p2 =	seq.s32 @!p0 s5, $0x0  }
0x1f: {  	s9 =	smul.u32 $0xF7A, s1;
	s8 =	simm.s32 @!p0 $0x1BF5;
	p2 =	por !p2, p0  }
0x20: {  	[sflag:s8] =	ssyncset.s32 @!p0 $0xFFFFF086;
	s6 =	sadd.s32 @!p0 s3, s7;
	s7 =	simm.s32 @!p0 $0x108  }
0x21: {  	s3 =	sadd.s32 s3, s9;
	s6 =	sadd.s32 @!p0 $0x88, s6;
	s7 =	simm.s32 @p2 $0x1082  }
0x22: {  	[simem:s7], [sflag:s8] =	dma.local @!p0 [hbm:s6], $0xF7A  }
0x23: {  	s9 =	sor.u32 $0xD0000000, s2;
	s6 =	simm.s32 $0x108;
	_ =	swait.ge @!p0 [sflag:s8], $0x0  }
0x24: {  	s3 =	sadd.s32 $0x88, s3;
	s6 =	simm.s32 @!p1 $0x1082;
	[sflag:s4] =	ssyncset.s32 $0xFFFFF086  }
0x25: {  	[simem:s6], [sflag:s4] =	dma.local [hbm:s3], $0xF7A  }
0x26: {  	[smem:$0x3F7B] =	sst s1;
	(tag) =	ssettag s2;
	_ =	strace s9  }
0x27: {  	s1 =	sld [smem:$0x3F8B]  }
0x28: {  	s2 =	sld [smem:$0x3F8C]  }
0x29: {  	s4 =	sld [smem:$0x3F8E]  }
0x2a: {  	p0 =	seq.s32 s5, $0x0;
	s5 =	sld [smem:$0x3F8F]  }
0x2b: {  	s6 =	sld [smem:$0x3F90]  }
0x2c: {  	s7 =	sld [smem:$0x3F91]  }
0x2d: {  	s3 =	simm.s32 $0x108;
	s8 =	sld [smem:$0x3F92]  }
0x2e: {  	s3 =	simm.s32 @!p0 $0x1082;
	s9 =	sld [smem:$0x3F93]  }
0x2f: {  	lr =	sadd.s32 s0, s3;
	s0 =	sld [smem:$0x3F8A]  }
0x30: {  	s3 =	sld [smem:$0x3F8D]  }
0x31: {  	[smem:$0x3F96] =	sst s10  }
0x32: {  	s10 =	sld [smem:$0x3F94];
	_ =	sdelay $0x3  }
0x33: {  	p0 =	seq.s32 s10, $0x1;
	s10 =	sld [smem:$0x3F96];
	_ =	sdelay $0x3  }
0x34: {  	[smem:$0x3F96] =	sst s10  }
0x35: {  	s10 =	sld [smem:$0x3F95];
	_ =	sdelay $0x3  }
0x36: {  	p1 =	seq.s32 s10, $0x1;
	s10 =	sld [smem:$0x3F96];
	_ =	sdelay $0x3  }
0x37: {  	[smem:$0x3F96] =	sst s10  }
0x38: {  	s10 =	sld [smem:$0x3F97]  }
0x39: {  	_ = 	snop;
	(pc) =	sbr.ind lr, $3  }
0x3a: {  	_ = 	snop  }
0x3b: {  	_ = 	snop  }
0x3c: {  	p2 =	seq.s32 s10, $0x1;
	s10 =	sld [smem:$0x3F96]  }
0x3d: {  	_ =	shalt  }
0x3e: {  	_ =	shalt  }
0x3f: {  	_ =	shalt  }
0x40: {  	_ =	shalt  }
0x41: {  	_ =	shalt  }
0x42: {  	_ =	shalt  }
0x43: {  	_ =	shalt  }
0x44: {  	_ =	shalt  }
0x45: {  	_ =	shalt  }
0x46: {  	_ =	shalt  }
0x47: {  	_ =	shalt  }
0x48: {  	_ =	shalt  }
0x49: {  	_ =	shalt  }
0x4a: {  	_ =	shalt  }
0x4b: {  	_ =	shalt  }
0x4c: {  	_ =	shalt  }
0x4d: {  	_ =	shalt  }
0x4e: {  	_ =	shalt  }
0x4f: {  	_ =	shalt  }
0x50: {  	_ =	shalt  }
0x51: {  	_ =	shalt  }
0x52: {  	_ =	shalt  }
0x53: {  	_ =	shalt  }
0x54: {  	_ =	shalt  }
0x55: {  	_ =	shalt  }
0x56: {  	_ =	shalt  }
0x57: {  	_ =	shalt  }
0x58: {  	_ =	shalt  }
0x59: {  	_ =	shalt  }
0x5a: {  	_ =	shalt  }
0x5b: {  	_ =	shalt  }
0x5c: {  	_ =	shalt  }
0x5d: {  	_ =	shalt  }
0x5e: {  	_ =	shalt  }
0x5f: {  	_ =	shalt  }
0x60: {  	_ =	shalt  }
0x61: {  	_ =	shalt  }
0x62: {  	_ =	shalt  }
0x63: {  	_ =	shalt  }
0x64: {  	_ =	shalt  }
0x65: {  	_ =	shalt  }
0x66: {  	_ =	shalt  }
0x67: {  	_ =	shalt  }
0x68: {  	_ =	shalt  }
0x69: {  	_ =	shalt  }
0x6a: {  	_ =	shalt  }
0x6b: {  	_ =	shalt  }
0x6c: {  	_ =	shalt  }
0x6d: {  	_ =	shalt  }
0x6e: {  	_ =	shalt  }
0x6f: {  	_ =	shalt  }
0x70: {  	_ =	shalt  }
0x71: {  	_ =	shalt  }
0x72: {  	_ =	shalt  }
0x73: {  	_ =	shalt  }
0x74: {  	_ =	shalt  }
0x75: {  	_ =	shalt  }
0x76: {  	_ =	shalt  }
0x77: {  	_ =	shalt  }
0x78: {  	_ =	shalt  }
0x79: {  	_ =	shalt  }
0x7a: {  	_ =	shalt  }
0x7b: {  	_ =	shalt  }
0x7c: {  	_ =	shalt  }
0x7d: {  	_ =	shalt  }
0x7e: {  	_ =	shalt  }
0x7f: {  	_ =	shalt  }
0x80: {  	_ =	shalt  }
0x81: {  	_ =	shalt  }
0x82: {  	_ =	shalt  }
0x83: {  	_ =	shalt  }
0x84: {  	_ =	shalt  }
0x85: {  	_ =	shalt  }
0x86: {  	_ =	shalt  }
0x87: {  	_ =	shalt  }
.Lfunc_end0:
.L_simem_size_0:
called_computation_lowered:
.L_overlay_start_0:
0x88: {  	s2 =	sld [smem:$0x3FD9]  }
0x89: {  	s3 =	sld [smem:$0x3FFE];
	_ =	sdelay $0x1  }
0x8a: {  	s1 =	srdreg.scid  }
0x8b: {  	s0 =	sand.u32 $0x1, s1  }
0x8c: {  	s17 =	sshll.u32 s0, $0xA;
	s2 =	sadd.s32 s3, s2  }
0x8d: {  	s2 =	sadd.s32 s2, s17  }
0x8e: {  	[smem:$0x3FA2] =	sst s2  }
0x8f: {  	_ = 	snop  }
0x90: {  	s2 =	sld [smem:$0x3FC7];
	(tm) =	ssettm $0x1  }
0x91: {  	s18 =	sld [smem:$0x3FFB];
	_ =	sdelay $0x3  }
0x92: {  	_ =	strace s18  }
0x93: {  	s3 =	sld [smem:$0x3FFC];
	_ =	sdelay $0x3  }
0x94: {  	_ =	strace s3  }
0x95: {  	s3 =	sld [smem:$0x3FFD];
	_ =	sdelay $0x3  }
0x96: {  	_ =	strace s3  }
0x97: {  	_ =	strace $0x8FFFFFFF  }
0x98: {  	s19 =	sld [smem:$0x3FDB];
	_ =	sdelay $0x1  }
0x99: {  	s4 =	simm.s32 $_scs_section_size  }
0x9a: {  	s5 =	simm.s32 $_size__tile_overlayer_lowered;
	s6 =	simm.s32 $_tile_overlayer_lowered  }
0x9b: {  	s22 =	simm.s32 $0x1BFF;
	s21 =	sshll.u32 s6, $0x1;
	s3 =	sadd.s32 s4, s19  }
0x9c: {  	s7 =	simm.s32 $0x0;
	s20 =	sshll.u32 s5, $0x1;
	s5 =	sadd.s32 s21, s3  }
0x9d: {  	[timem:s7], [sflag:s22] =	dma.local [hbm:s5], s20  }
0x9e: {  	_ =	swait.ge [sflag:s22], s20  }
0x9f: {  	s4 =	ssub.s32 $0x0, s20;
	[sflag:s22] =	ssyncset.done $0x0  }
0xa0: {  	[sflag:s22] =	ssyncadd.s32 s4;
	_ =	sdelay $0x1  }
0xa1: {  	s23 =	simm.s32 $0x1B8B  }
0xa2: {  	_ =	swait.ge [sflag:s23], $0x1  }
0xa3: {  	[sflag:s23] =	ssyncset.done $0x0  }
0xa4: {  	s25 =	simm.s32 $0x1B8E;
	s24 =	sld [smem:$0x3FFE];
	[sflag:s23] =	ssyncadd.s32 $0xFFFFFFFF  }
0xa5: {  	s26 =	simm.s32 $execute0_lowered;
	[smem:$0x3FD2] =	sst s25  }
0xa6: {  	s5 =	sshll.u32 s26, $0x1;
	_ =	strace $0x80000046;
	[dreg:$0x1] =	wrdreg $0xFFFFFFFF  }
0xa7: {  	s28 =	simm.s32 $_size_execute0_lowered;
	s3 =	sadd.s32 s3, s5;
	[dreg:$0x0] =	wrdreg $0x0  }
0xa8: {  	s5 =	sshll.u32 s28, $0x1;
	[dreg:$0x2] =	wrdreg s3  }
0xa9: {  	[dreg:$0x3] =	wrdreg s5  }
0xaa: {  	[dreg:$0x4] =	wrdreg $0xC0  }
0xab: {  	_ =	task [dreg:s7], $0x5FFFF  }
0xac: {  	[dreg:$0x1] =	wrdreg $0xFFFFFFFF  }
0xad: {  	[dreg:$0x0] =	wrdreg $0x60  }
0xae: {  	[dreg:$0x2] =	wrdreg s24  }
0xaf: {  	[dreg:$0x3] =	wrdreg s2  }
0xb0: {  	[dreg:$0x4] =	wrdreg $0xB7800  }
0xb1: {  	[dreg:$0x5] =	wrdreg $0x9  }
0xb2: {  	_ =	task.clear_ibuf [dreg:s7], $0x6FFFF;
	_ =	strace $0x90000046  }
0xb3: {  	s29 =	simm.s32 $0x9;
	_ =	strace $0x80000048  }
0xb4: {  	_ =	swait.ge [sflag:s29], $0x1  }
0xb5: {  	[sflag:s29] =	ssyncadd.s32 $0xFFFFFFFF  }
0xb6: {  	_ =	strace $0x90000048  }
0xb7: {  	_ =	sfence  }
0xb8: {  	s30 =	sld [smem:$0x0];
	_ =	sdelay $0x2  }
0xb9: {  	s31 =	sshll.u32 s1, $0xD;
	s1 =	sshrl.u32 s1, $0x2  }
0xba: {  	s3 =	sand.u32 $0x4000, s31;
	s1 =	sadd.s32 s1, s30  }
0xbb: {  	s0 =	sor.u32 s3, s0;
	s1 =	sshll.u32 s1, $0x11  }
0xbc: {  	s0 =	sor.u32 s1, s0  }
0xbd: {  	s0 =	sadd.s32 $0x8F2B, s0  }
0xbe: {  	[sflag:s0] =	ssyncadd.remote.s32 $0x1  }
0xbf: {  	_ =	sfence.sel $0xFFFF  }
0xc0: {  	[dreg:$0x0] =	wrdreg $0xFFFFFFFF;
	(pc) =	sbr.abs _section_cstart, $3  }
0xc1: {  	[dreg:$0x1] =	wrdreg $0xFFFFFFFF  }
0xc2: {  	_ =	task.clear_ibuf [dreg:s7], $0x2FFFF;
	_ =	strace $0x9FFFFFFF  }
0xc3: {  	(tm) =	ssettm $0x7FFFFFFF  }
tec
execute0_lowered:
.L_overlay_start_1:
0x0: {  	(tag) =	ssettag $0x1  }
0x1: {  	s0 =	rddreg [dreg:$0x0]  }
0x2: {  	s3 =	rddreg [dreg:$0x1]  }
0x3: {  	s1 =	rddreg [dreg:$0x2];
	s4 =	srdreg.scid  }
0x4: {  	s26 =	stileid.u32;
	s2 =	simm.s32 $0x0;
	s28 =	simm.s32 $0x3  }
0x5: {  	s29 =	simm.s32 $0x9000;
	s30 =	simm.s32 $0x4000;
	s31 =	simm.s32 $0x1  }
0x6: {  	s4 =	sand.u32 $0x1, s4;
	s5 =	sshll.u32 s26, $0x1;
	[smem:$0x7FF] =	sst s2  }
0x7: {  	s6 =	sshrl.u32 s26, $0x2;
	s10 =	smul.u32 $0x2800, s26;
	s11 =	sadd.s32 $0x15E00, s0  }
0x8: {  	s16 =	sor.u32 $0x70, s26;
	p0 =	sgt.u32 s26, $0xC;
	s6 =	smul.u32 $0x13C00, s6  }
0x9: {  	s5 =	sor.u32 s4, s5;
	s8 =	ssub.s32 $0x2, s4;
	s24 =	smul.u32 $0x2800, s16  }
0xa: {  	s9 =	sshll.u32 s5, $0xB;
	s7 =	sshll.u32 s5, $0x7;
	s25 =	sshrl.u32 s8, $0x1  }
0xb: {  	s17 =	sadd.s32 $0x28000, s10;
	s18 =	sadd.s32 $0x50000, s10;
	s19 =	sadd.s32 $0x78000, s10  }
0xc: {  	s20 =	sadd.s32 $0xA0000, s10;
	s21 =	sadd.s32 $0xC8000, s10;
	s5 =	smul.u32 $0x27100, s5  }
0xd: {  	s7 =	sand.u32 $0x380, s7;
	s25 =	ssub.s32 s8, s25;
	s8 =	smul.u32 $0x138800, s4  }
0xe: {  	s22 =	sadd.s32 $0xF0000, s10;
	s4 =	smul.u32 $0x27100, s4;
	s6 =	sor.u32 s6, s7  }
0xf: {  	s25 =	smax.u32 s25, $0x1;
	s10 =	sadd.s32 s10, s8;
	s12 =	sadd.s32 s8, s17  }
0x10: {  	s15 =	sadd.s32 s8, s19;
	s23 =	sadd.s32 s8, s20;
	s6 =	sshrl.u32 s6, $0x3  }
0x11: {  	s17 =	sadd.s32 s17, s1;
	s19 =	sadd.s32 s19, s1;
	s20 =	sadd.s32 s20, s1  }
0x12: {  	s7 =	sshrl.u32 s10, $0x3;
	s10 =	sshrl.u32 s12, $0x3;
	s12 =	sadd.s32 s8, s18  }
0x13: {  	s6 =	sadd.s32 s6, s0;
	s18 =	sadd.s32 s18, s1;
	s7 =	sadd.s32 s11, s7  }
0x14: {  	s13 =	sadd.s32 s11, s10;
	s14 =	sshrl.u32 s12, $0x3;
	s10 =	sshrl.u32 s23, $0x3  }
0x15: {  	s12 =	sadd.s32 s8, s24;
	s24 =	smul.u32 $0x4E200, s26;
	[dreg:$0x4] =	wrdreg s7  }
0x16: {  	[dreg:$0x5] =	wrdreg s13;
	s7 =	sadd.s32 s11, s14;
	s13 =	sadd.s32 s11, s10  }
0x17: {  	s14 =	sadd.s32 s8, s21;
	s12 =	sshrl.u32 s12, $0x3;
	[dreg:$0x6] =	wrdreg s7  }
0x18: {  	s21 =	sadd.s32 s21, s1;
	s7 =	sshrl.u32 s15, $0x3;
	[dreg:$0x8] =	wrdreg s13  }
0x19: {  	s10 =	sshrl.u32 s14, $0x3;
	s13 =	sadd.s32 s8, s22;
	s8 =	smul.u32 $0xA000, s26  }
0x1a: {  	s14 =	sadd.s32 $0x15800, s0;
	s22 =	sadd.s32 s22, s1;
	s7 =	sadd.s32 s11, s7  }
0x1b: {  	s15 =	sadd.s32 s11, s10;
	s23 =	sshrl.u32 s13, $0x3;
	[dreg:$0x7] =	wrdreg s7  }
0x1c: {  	s13 =	sadd.s32 $0x15200, s0;
	[dreg:$0x9] =	wrdreg s15;
	s10 =	sadd.s32 s11, s23  }
0x1d: {  	s11 =	sadd.s32 s11, s12;
	s12 =	sadd.s32 s3, s5;
	s3 =	sadd.s32 s24, s3  }
0x1e: {  	s7 =	sadd.s32 s9, s0;
	s9 =	sshrl.u32 s8, $0x2;
	s23 =	smul.u32 $0xA000, s16  }
0x1f: {  	s0 =	simm.s32 $0x50;
	_ =	strace $0x80000047;
	s3 =	sadd.s32 s4, s3  }
0x20: {  	s15 =	sadd.s32 $0x5200, s7;
	s16 =	sadd.s32 s9, s1;
	s9 =	simm.s32 $0x6800  }
0x21: {  	s4 =	simm.s32 $0x0;
	s24 =	sshrl.u32 s23, $0x2;
	s5 =	sadd.s32 $0xA00, s3  }
0x22: {  	v0 =	vimm.f32 $1.000000000e+00;
	s3 =	simm.s32 $0x2;
	s23 =	sadd.s32 s24, s1;
	s24 =	sadd.s32 $0x64000, s6  }
.LBB2_1:
0x23: {  	[tilespmem:s2], [sflag:$0x3] =	stream.linear.gather [hbm4b:s15+s2], $0x3E80, $0x38;
	[tilespmem:$0x1F000] =	vst v63  }
0x24: {  	_ =	swait.ge [sflag:s28], $0x3E80  }
0x25: {  	[sflag:s28] =	ssyncset.done $0x0  }
0x26: {  	[sflag:s28] =	ssyncadd.s32 $0xFFFFC180  }
0x27: {  	[tilespmem:s29], [sflag:$0x3] =	stream.linear.gather [hbm4b:s14+s2], $0x2780, $0x38;
	[tilespmem:$0x1F000] =	vst v63  }
0x28: {  	_ =	swait.ge [sflag:s28], $0x2780  }
0x29: {  	[sflag:s28] =	ssyncset.done $0x0  }
0x2a: {  	[sflag:s28] =	ssyncadd.s32 $0xFFFFD880  }
0x2b: {  	[tilespmem:s30], [sflag:$0x3] =	stream.linear.gather [hbm4b:s13+s2], $0x2800, $0x38;
	[tilespmem:$0x1F000] =	vst v63  }
0x2c: {  	_ =	swait.ge [sflag:s28], $0x2800  }
0x2d: {  	[sflag:s28] =	ssyncset.done $0x0  }
0x2e: {  	[sflag:s28] =	ssyncadd.s32 $0xFFFFD800  }
0x2f: {  	[spmem:s16] =	stream.linear.scatter [tilespmem:s30], [sflag:$0x1], $0x2800, $0x38;
	[tilespmem:$0x1F000] =	vst v63  }
0x30: {  	_ = 	snop  }
0x31: {  	[spmem:s17] =	stream.linear.scatter [tilespmem:s30], [sflag:$0x1], $0x2800, $0x38;
	[tilespmem:$0x1F000] =	vst v63  }
0x32: {  	_ = 	snop  }
0x33: {  	[spmem:s18] =	stream.linear.scatter [tilespmem:s30], [sflag:$0x1], $0x2800, $0x38;
	[tilespmem:$0x1F000] =	vst v63  }
0x34: {  	_ = 	snop  }
0x35: {  	[spmem:s19] =	stream.linear.scatter [tilespmem:s30], [sflag:$0x1], $0x2800, $0x38;
	[tilespmem:$0x1F000] =	vst v63  }
0x36: {  	_ = 	snop  }
0x37: {  	[spmem:s20] =	stream.linear.scatter [tilespmem:s30], [sflag:$0x1], $0x2800, $0x38;
	[tilespmem:$0x1F000] =	vst v63  }
0x38: {  	_ = 	snop  }
0x39: {  	[spmem:s21] =	stream.linear.scatter [tilespmem:s30], [sflag:$0x1], $0x2800, $0x38;
	[tilespmem:$0x1F000] =	vst v63  }
0x3a: {  	_ = 	snop  }
0x3b: {  	[spmem:s22] =	stream.linear.scatter [tilespmem:s30], [sflag:$0x1], $0x2800, $0x38;
	[tilespmem:$0x1F000] =	vst v63  }
0x3c: {  	s6 =	simm.s32 @!p0 $0x4000  }
0x3d: {  	[spmem:s23] =	stream.linear.scatter @!p0 [tilespmem:s6], [sflag:$0x1], $0x2800, $0x38;
	[tilespmem:$0x1F000] =	vst v63  }
0x3e: {  	_ =	swait.ge [sflag:s31], $0x2800  }
0x3f: {  	[sflag:s31] =	ssyncset.done $0x0  }
0x40: {  	[sflag:s31] =	ssyncadd.s32 $0xFFFFD800  }
0x41: {  	_ =	swait.ge [sflag:s31], $0x2800  }
0x42: {  	[sflag:s31] =	ssyncset.done $0x0  }
0x43: {  	[sflag:s31] =	ssyncadd.s32 $0xFFFFD800  }
0x44: {  	_ =	swait.ge [sflag:s31], $0x2800  }
0x45: {  	[sflag:s31] =	ssyncset.done $0x0  }
0x46: {  	[sflag:s31] =	ssyncadd.s32 $0xFFFFD800  }
0x47: {  	_ =	swait.ge [sflag:s31], $0x2800  }
0x48: {  	[sflag:s31] =	ssyncset.done $0x0  }
0x49: {  	[sflag:s31] =	ssyncadd.s32 $0xFFFFD800  }
0x4a: {  	_ =	swait.ge [sflag:s31], $0x2800  }
0x4b: {  	[sflag:s31] =	ssyncset.done $0x0  }
0x4c: {  	[sflag:s31] =	ssyncadd.s32 $0xFFFFD800  }
0x4d: {  	_ =	swait.ge [sflag:s31], $0x2800  }
0x4e: {  	[sflag:s31] =	ssyncset.done $0x0  }
0x4f: {  	[sflag:s31] =	ssyncadd.s32 $0xFFFFD800  }
0x50: {  	_ =	swait.ge [sflag:s31], $0x2800  }
0x51: {  	[sflag:s31] =	ssyncset.done $0x0  }
0x52: {  	s6 =	simm.s32 @!p0 $0x1;
	[sflag:s31] =	ssyncadd.s32 $0xFFFFD800  }
0x53: {  	_ =	swait.ge @!p0 [sflag:s6], $0x2800  }
0x54: {  	[sflag:s6] =	ssyncset.done @!p0 $0x0  }
0x55: {  	[sflag:s6] =	ssyncadd.s32 @!p0 $0xFFFFD800  }
0x56: {  	s26 =	smov.u32 s5;
	s6 =	simm.s32 $0x0;
	[bflag:$0x0] =	sbarrier.arrive $0xFFFF  }
0x57: {  	[tilespmem:s30], [sflag:$0x1] =	stream.linear.gather [hbm4b:s12+s2], $0x2800, $0x38;
	[tilespmem:$0x1F000] =	vst v63  }
.LBB2_2:
0x58: {  	_ =	swait.ge [sflag:s31], $0x2800  }
0x59: {  	[sflag:s31] =	ssyncset.done $0x0  }
0x5a: {  	s7 =	sadd.s32 $0xFFFFFB00, s26;
	[sflag:s31] =	ssyncadd.s32 $0xFFFFD800  }
0x5b: {  	[tilespmem:s9], [sflag:$0x2] =	stream.linear.gather [hbm4b:s7+s2], $0x2800, $0x38;
	[tilespmem:$0x1F000] =	vst v63  }
0x5c: {  	s7 =	sshra.s32 s6, $0x2  }
0x5d: {  	[spmem:s1] =	stream.indirect.scatter.add.f32 [tilespmem:s30], [sflag:$0x3], $0x80, s7, s0, $0xb8;
	[tilespmem:$0x1F000] =	vst v63  }
0x5e: {  	_ =	swait.ge [sflag:s28], $0x2800  }
0x5f: {  	[sflag:s28] =	ssyncset.done $0x0  }
0x60: {  	[sflag:s28] =	ssyncadd.s32 $0xFFFFD800  }
0x61: {  	v1 =	vld [tilespmem:s7+$0x0];
	_ =	sdelay $0x7  }
0x62: {  	[tilespmem:v1+s29+$0x0] =	vst.idx.add.f32.msk $0xffff, v0  }
0x63: {  	v1 =	vld [tilespmem:s7+$0x10];
	_ =	sdelay $0x7  }
0x64: {  	[tilespmem:v1+s29+$0x0] =	vst.idx.add.f32.msk $0xffff, v0  }
0x65: {  	v1 =	vld [tilespmem:s7+$0x20];
	_ =	sdelay $0x7  }
0x66: {  	[tilespmem:v1+s29+$0x0] =	vst.idx.add.f32.msk $0xffff, v0  }
0x67: {  	v1 =	vld [tilespmem:s7+$0x30];
	_ =	sdelay $0x7  }
0x68: {  	[tilespmem:v1+s29+$0x0] =	vst.idx.add.f32.msk $0xffff, v0  }
0x69: {  	v1 =	vld [tilespmem:s7+$0x40];
	_ =	sdelay $0x7  }
0x6a: {  	[tilespmem:v1+s29+$0x0] =	vst.idx.add.f32.msk $0xffff, v0  }
0x6b: {  	_ =	swait.ge [sflag:s3], $0x2800  }
0x6c: {  	[sflag:s3] =	ssyncset.done $0x0  }
0x6d: {  	[sflag:s3] =	ssyncadd.s32 $0xFFFFD800  }
0x6e: {  	[tilespmem:s30], [sflag:$0x1] =	stream.linear.gather [hbm4b:s26+s2], $0x2800, $0x38;
	[tilespmem:$0x1F000] =	vst v63  }
0x6f: {  	s8 =	sadd.s32 $0x80, s7  }
0x70: {  	[spmem:s1] =	stream.indirect.scatter.add.f32 [tilespmem:s9], [sflag:$0x3], $0x80, s8, s0, $0xb8;
	[tilespmem:$0x1F000] =	vst v63  }
0x71: {  	_ =	swait.ge [sflag:s28], $0x2800  }
0x72: {  	[sflag:s28] =	ssyncset.done $0x0  }
0x73: {  	[sflag:s28] =	ssyncadd.s32 $0xFFFFD800  }
0x74: {  	v1 =	vld [tilespmem:s7+$0x80];
	_ =	sdelay $0x7  }
0x75: {  	[tilespmem:v1+s29+$0x0] =	vst.idx.add.f32.msk $0xffff, v0  }
0x76: {  	v1 =	vld [tilespmem:s7+$0x90];
	_ =	sdelay $0x7  }
0x77: {  	[tilespmem:v1+s29+$0x0] =	vst.idx.add.f32.msk $0xffff, v0  }
0x78: {  	v1 =	vld [tilespmem:s7+$0xA0];
	_ =	sdelay $0x7  }
0x79: {  	[tilespmem:v1+s29+$0x0] =	vst.idx.add.f32.msk $0xffff, v0  }
0x7a: {  	v1 =	vld [tilespmem:s7+$0xB0];
	_ =	sdelay $0x7  }
0x7b: {  	[tilespmem:v1+s29+$0x0] =	vst.idx.add.f32.msk $0xffff, v0  }
0x7c: {  	v1 =	vld [tilespmem:s7+$0xC0];
	_ =	sdelay $0x2  }
0x7d: {  	p1 =	sne.s32 s6, $0xF400  }
.Ltmp0:
0x7e: {  	_ = 	snop;
	(pc) =	sbr.rel @p1 .LBB2_2-.Ltmp0, $2  }
0x7f: {  	_ =	sdelay $0x2  }
0x80: {  	s6 =	sadd.s32 $0x400, s6;
	s26 =	sadd.s32 $0xA00, s26;
	[tilespmem:v1+s29+$0x0] =	vst.idx.add.f32.msk $0xffff, v0  }
0x81: {  	_ =	swait.ge [sflag:s31], $0x2800  }
0x82: {  	[sflag:s31] =	ssyncset.done $0x0  }
0x83: {  	s6 =	simm.s32 $0x3E00;
	[sflag:s31] =	ssyncadd.s32 $0xFFFFD800  }
0x84: {  	[spmem:s1] =	stream.indirect.scatter.add.f32 [tilespmem:s30], [sflag:$0x3], $0x80, s6, s0, $0xb8;
	[tilespmem:$0x1F000] =	vst v63  }
0x85: {  	_ =	swait.ge [sflag:s28], $0x2800  }
0x86: {  	[sflag:s28] =	ssyncset.done $0x0  }
0x87: {  	[sflag:s28] =	ssyncadd.s32 $0xFFFFD800  }
0x88: {  	v1 =	vld [tilespmem:$0x3E00];
	_ =	sdelay $0x7  }
0x89: {  	[tilespmem:v1+s29+$0x0] =	vst.idx.add.f32.msk $0xffff, v0  }
0x8a: {  	v1 =	vld [tilespmem:$0x3E10];
	_ =	sdelay $0x7  }
0x8b: {  	[tilespmem:v1+s29+$0x0] =	vst.idx.add.f32.msk $0xffff, v0  }
0x8c: {  	v1 =	vld [tilespmem:$0x3E20];
	_ =	sdelay $0x7  }
0x8d: {  	[tilespmem:v1+s29+$0x0] =	vst.idx.add.f32.msk $0xffff, v0  }
0x8e: {  	v1 =	vld [tilespmem:$0x3E30];
	_ =	sdelay $0x7  }
0x8f: {  	[tilespmem:v1+s29+$0x0] =	vst.idx.add.f32.msk $0xffff, v0  }
0x90: {  	v1 =	vld [tilespmem:$0x3E40];
	_ =	sdelay $0x7  }
0x91: {  	[tilespmem:v1+s29+$0x0] =	vst.idx.add.f32.msk $0xffff, v0  }
0x92: {  	[bflag:$0x0] =	sbarrier.arrive $0xFFFF  }
0x93: {  	[tilespmem:s30], [sflag:$0x3] =	stream.linear.gather [spmem:s16], $0x2800, $0x38;
	[tilespmem:$0x1F000] =	vst v63  }
0x94: {  	_ =	swait.ge [sflag:s28], $0x2800  }
0x95: {  	[sflag:s28] =	ssyncset.done $0x0  }
0x96: {  	s8 =	rddreg [dreg:$0x4];
	[sflag:s28] =	ssyncadd.s32 $0xFFFFD800  }
0x97: {  	[hbm4b:s8+s2] =	stream.linear.scatter [tilespmem:s30], [sflag:$0x1], $0x2800, $0x38;
	[tilespmem:$0x1F000] =	vst v63  }
0x98: {  	_ = 	snop  }
0x99: {  	[tilespmem:s9], [sflag:$0x3] =	stream.linear.gather [spmem:s17], $0x2800, $0x38;
	[tilespmem:$0x1F000] =	vst v63  }
0x9a: {  	_ =	swait.ge [sflag:s28], $0x2800  }
0x9b: {  	[sflag:s28] =	ssyncset.done $0x0  }
0x9c: {  	s26 =	rddreg [dreg:$0x5];
	[sflag:s28] =	ssyncadd.s32 $0xFFFFD800  }
0x9d: {  	[hbm4b:s26+s2] =	stream.linear.scatter [tilespmem:s9], [sflag:$0x2], $0x2800, $0x38;
	[tilespmem:$0x1F000] =	vst v63  }
0x9e: {  	_ =	swait.ge [sflag:s31], $0x2800  }
0x9f: {  	[sflag:s31] =	ssyncset.done $0x0  }
0xa0: {  	[sflag:s31] =	ssyncadd.s32 $0xFFFFD800  }
0xa1: {  	[tilespmem:s30], [sflag:$0x3] =	stream.linear.gather [spmem:s18], $0x2800, $0x38;
	[tilespmem:$0x1F000] =	vst v63  }
0xa2: {  	_ =	swait.ge [sflag:s28], $0x2800  }
0xa3: {  	[sflag:s28] =	ssyncset.done $0x0  }
0xa4: {  	s7 =	rddreg [dreg:$0x6];
	[sflag:s28] =	ssyncadd.s32 $0xFFFFD800  }
0xa5: {  	[hbm4b:s7+s2] =	stream.linear.scatter [tilespmem:s30], [sflag:$0x1], $0x2800, $0x38;
	[tilespmem:$0x1F000] =	vst v63  }
0xa6: {  	_ =	swait.ge [sflag:s3], $0x2800  }
0xa7: {  	[sflag:s3] =	ssyncset.done $0x0  }
0xa8: {  	[sflag:s3] =	ssyncadd.s32 $0xFFFFD800  }
0xa9: {  	[tilespmem:s9], [sflag:$0x3] =	stream.linear.gather [spmem:s19], $0x2800, $0x38;
	[tilespmem:$0x1F000] =	vst v63  }
0xaa: {  	_ =	swait.ge [sflag:s28], $0x2800  }
0xab: {  	[sflag:s28] =	ssyncset.done $0x0  }
0xac: {  	s8 =	rddreg [dreg:$0x7];
	[sflag:s28] =	ssyncadd.s32 $0xFFFFD800  }
0xad: {  	[hbm4b:s8+s2] =	stream.linear.scatter [tilespmem:s9], [sflag:$0x2], $0x2800, $0x38;
	[tilespmem:$0x1F000] =	vst v63  }
0xae: {  	_ =	swait.ge [sflag:s31], $0x2800  }
0xaf: {  	[sflag:s31] =	ssyncset.done $0x0  }
0xb0: {  	[sflag:s31] =	ssyncadd.s32 $0xFFFFD800  }
0xb1: {  	[tilespmem:s30], [sflag:$0x3] =	stream.linear.gather [spmem:s20], $0x2800, $0x38;
	[tilespmem:$0x1F000] =	vst v63  }
0xb2: {  	_ =	swait.ge [sflag:s28], $0x2800  }
0xb3: {  	[sflag:s28] =	ssyncset.done $0x0  }
0xb4: {  	s26 =	rddreg [dreg:$0x8];
	[sflag:s28] =	ssyncadd.s32 $0xFFFFD800  }
0xb5: {  	[hbm4b:s26+s2] =	stream.linear.scatter [tilespmem:s30], [sflag:$0x1], $0x2800, $0x38;
	[tilespmem:$0x1F000] =	vst v63  }
0xb6: {  	_ =	swait.ge [sflag:s3], $0x2800  }
0xb7: {  	[sflag:s3] =	ssyncset.done $0x0  }
0xb8: {  	[sflag:s3] =	ssyncadd.s32 $0xFFFFD800  }
0xb9: {  	[tilespmem:s9], [sflag:$0x3] =	stream.linear.gather [spmem:s21], $0x2800, $0x38;
	[tilespmem:$0x1F000] =	vst v63  }
0xba: {  	_ =	swait.ge [sflag:s28], $0x2800  }
0xbb: {  	[sflag:s28] =	ssyncset.done $0x0  }
0xbc: {  	s7 =	rddreg [dreg:$0x9];
	[sflag:s28] =	ssyncadd.s32 $0xFFFFD800  }
0xbd: {  	[hbm4b:s7+s2] =	stream.linear.scatter [tilespmem:s9], [sflag:$0x2], $0x2800, $0x38;
	[tilespmem:$0x1F000] =	vst v63  }
0xbe: {  	_ =	swait.ge [sflag:s31], $0x2800  }
0xbf: {  	[sflag:s31] =	ssyncset.done $0x0  }
0xc0: {  	[sflag:s31] =	ssyncadd.s32 $0xFFFFD800  }
0xc1: {  	[tilespmem:s30], [sflag:$0x3] =	stream.linear.gather [spmem:s22], $0x2800, $0x38;
	[tilespmem:$0x1F000] =	vst v63  }
0xc2: {  	_ =	swait.ge [sflag:s28], $0x2800  }
0xc3: {  	[sflag:s28] =	ssyncset.done $0x0  }
0xc4: {  	s6 =	simm.s32 @!p0 $0x2;
	[sflag:s28] =	ssyncadd.s32 $0xFFFFD800  }
0xc5: {  	[hbm4b:s10+s2] =	stream.linear.scatter [tilespmem:s30], [sflag:$0x1], $0x2800, $0x38;
	[tilespmem:$0x1F000] =	vst v63  }
0xc6: {  	_ =	swait.ge @!p0 [sflag:s6], $0x2800  }
0xc7: {  	[sflag:s6] =	ssyncset.done @!p0 $0x0  }
0xc8: {  	s8 =	simm.s32 @!p0 $0x3;
	s7 =	simm.s32 @!p0 $0x6800;
	[sflag:s6] =	ssyncadd.s32 @!p0 $0xFFFFD800  }
0xc9: {  	[tilespmem:s7], [sflag:$0x3] =	stream.linear.gather @!p0 [spmem:s23], $0x2800, $0x38;
	[tilespmem:$0x1F000] =	vst v63  }
0xca: {  	_ =	swait.ge @!p0 [sflag:s8], $0x2800  }
0xcb: {  	[sflag:s8] =	ssyncset.done @!p0 $0x0  }
0xcc: {  	[sflag:s8] =	ssyncadd.s32 @!p0 $0xFFFFD800;
	s8 =	simm.s32 @!p0 $0x0  }
0xcd: {  	[hbm4b:s11+s8] =	stream.linear.scatter @!p0 [tilespmem:s7], [sflag:$0x2], $0x2800, $0x38;
	[tilespmem:$0x1F000] =	vst v63  }
0xce: {  	s7 =	simm.s32 @!p0 $0x1  }
0xcf: {  	_ =	swait.ge @!p0 [sflag:s7], $0x2800  }
0xd0: {  	[sflag:s7] =	ssyncset.done @!p0 $0x0  }
0xd1: {  	s6 =	simm.s32 @p0 $0x1;
	[sflag:s7] =	ssyncadd.s32 @!p0 $0xFFFFD800  }
0xd2: {  	s4 =	sadd.s32 $0x1, s4;
	_ =	swait.ge [sflag:s6], $0x2800  }
0xd3: {  	p1 =	sne.s32 s4, s25;
	s26 =	simm.s32 $0x400;
	[sflag:s6] =	ssyncset.done $0x0  }
.Ltmp1:
0xd4: {  	s8 =	simm.s32 $0x80;
	[sflag:s6] =	ssyncadd.s32 $0xFFFFD800;
	(pc) =	sbr.rel @p1 .LBB2_1-.Ltmp1, $4  }
0xd5: {  	[hbm4b:s24+s8] =	stream.strided.scatter [tilespmem:s29], [sflag:$0x3], $0x2780, s26, s8, $0x38;
	[tilespmem:$0x1F000] =	vst v63  }
0xd6: {  	_ =	swait.ge [sflag:s28], $0x2780  }
0xd7: {  	[sflag:s28] =	ssyncset.done $0x0  }
0xd8: {  	[sflag:s28] =	ssyncadd.s32 $0xFFFFD880  }
0xd9: {  	_ =	sfence.sel $0x180000  }
0xda: {  	[bflag:$0x0] =	sbarrier.arrive $0xFFFF  }
0xdb: {  	_ =	strace $0x90000047  }
0xdc: {  	s0 =	stileid.u32;
	[bflag:$0x2] =	sbarrier.arrive $0xFFFF  }
0xdd: {  	p0 =	sne.s32 s0, $0x0;
	s0 =	rddreg [dreg:$0x3]  }
0xde: {  	s0 =	sadd.s32 @!p0 $0x100000, s0  }
0xdf: {  	[sflag:s0] =	ssyncadd.tile.s32 @!p0 $0x1;
	_ =	shalt  }
.Lfunc_end2:
_tile_overlayer_lowered:
.L_overlay_start_2:
0xe0: {  	(tag) =	ssettag $0x2  }
0xe1: {  	s0 =	rddreg [dreg:$0x0];
	s2 =	stileid.u32  }
0xe2: {  	s1 =	rddreg [dreg:$0x1];
	p0 =	sne.s32 s2, $0x0  }
0xe3: {  	s3 =	rddreg [dreg:$0x2];
	[bflag:$0x3] =	sbarrier.arrive $0xFFFF;
	s2 =	simm.s32 @!p0 $0x1C03  }
0xe4: {  	[timem:s3], [sflag:s2] =	dma.local @!p0 [hbm:s0], s1  }
0xe5: {  	s0 =	simm.s32 @!p0 $0x3  }
0xe6: {  	_ =	swait.ge @!p0 [sflag:s0], s1  }
0xe7: {  	s1 =	ssub.s32 @!p0 $0x0, s1;
	[sflag:s0] =	ssyncset.done @!p0 $0x0  }
0xe8: {  	[sflag:s0] =	ssyncadd.s32 @!p0 s1  }
0xe9: {  	[bflag:$0x3] =	sbarrier.arrive $0xFFFF  }
0xea: {  	_ =	shalt  }

</sc_bundles>
